<compile_context>
chip_gen: v7x
topology: tpu7x:2x2x1
jax: 0.10.2.dev20260603
libtpu: 0.0.44.dev20260713+nightly
codegen_flags: <defaults>
</compile_context>

<pallas_src>
import functools

import jax
import jax.numpy as jnp
from jax import lax
from jax.experimental import pallas as pl
from jax.experimental.pallas import tpu as pltpu
from jax.experimental.pallas import tpu_sc as plsc

_CH_TC = 4096
_CHA_SC = 2048
_A_SC = 12288


def _tc_body(lp_ref, lt_ref, ct_ref, sum_ref, cnt_ref, acc_ref, pacc_ref):
    c = pl.program_id(0)
    nsteps = pl.num_programs(0)

    @pl.when(c == 0)
    def _init():
        acc_ref[...] = jnp.zeros_like(acc_ref)
        pacc_ref[...] = jnp.zeros_like(pacc_ref)

    d = lp_ref[...] - lt_ref[...]
    ad = jnp.abs(d)
    sl1 = jnp.where(ad < 1.0, 0.5 * d * d, ad - 0.5)
    pos = (ct_ref[...] > 0).astype(jnp.float32)
    acc_ref[...] += sl1 * pos[:, None, :]
    pacc_ref[...] += pos

    @pl.when(c == nsteps - 1)
    def _finish():
        sum_ref[0, 0] = jnp.sum(acc_ref[...])
        cnt_ref[0, 0] = jnp.sum(pacc_ref[...])


def _tc_part(lpT, ltT, ct, a_lo, a_hi):
    B, L, A = lpT.shape
    CH = _CH_TC
    nblk = (a_hi - a_lo) // CH
    blk0 = a_lo // CH
    s, n = pl.pallas_call(
        _tc_body,
        grid=(nblk,),
        in_specs=[
            pl.BlockSpec((B, L, CH), lambda c: (0, 0, c + blk0)),
            pl.BlockSpec((B, L, CH), lambda c: (0, 0, c + blk0)),
            pl.BlockSpec((B, CH), lambda c: (0, c + blk0)),
        ],
        out_specs=[
            pl.BlockSpec(memory_space=pltpu.SMEM),
            pl.BlockSpec(memory_space=pltpu.SMEM),
        ],
        out_shape=[
            jax.ShapeDtypeStruct((1, 1), jnp.float32),
            jax.ShapeDtypeStruct((1, 1), jnp.float32),
        ],
        scratch_shapes=[
            pltpu.VMEM((B, L, CH), jnp.float32),
            pltpu.VMEM((B, CH), jnp.float32),
        ],
    )(lpT, ltT, ct)
    return s[0, 0], n[0, 0]


def _sc_part(lpT, ltT, ct, a_lo, a_hi):
    B, L, A = lpT.shape
    NC, NL = 2, 16
    NW = 32
    CHA = _CHA_SC
    nch = (a_hi - a_lo) // CHA

    @functools.partial(
        pl.kernel,
        mesh=plsc.VectorSubcoreMesh(core_axis_name="c", subcore_axis_name="s"),
        out_type=[
            jax.ShapeDtypeStruct((NW * NL,), jnp.float32),
            jax.ShapeDtypeStruct((NW * NL,), jnp.float32),
        ],
        scratch_types=[
            pltpu.VMEM((L, CHA), jnp.float32),
            pltpu.VMEM((L, CHA), jnp.float32),
            pltpu.VMEM((CHA,), jnp.int32),
            pltpu.VMEM((NL,), jnp.float32),
            pltpu.VMEM((NL,), jnp.float32),
        ],
    )
    def _sc_body(lp_hbm, lt_hbm, ct_hbm, sum_hbm, cnt_hbm,
                 lp_v, lt_v, ct_v, s_v, c_v):
        w = lax.axis_index("s") * NC + lax.axis_index("c")
        zero = jnp.zeros((NL,), jnp.float32)
        one = jnp.ones((NL,), jnp.float32)
        half = jnp.full((NL,), 0.5, jnp.float32)

        def chunk_body(ci, carry):
            acc, cnt = carry
            a0 = a_lo + ci * CHA
            pltpu.sync_copy(lp_hbm.at[w, :, pl.ds(a0, CHA)], lp_v)
            pltpu.sync_copy(lt_hbm.at[w, :, pl.ds(a0, CHA)], lt_v)
            pltpu.sync_copy(ct_hbm.at[w, pl.ds(a0, CHA)], ct_v)

            def g_body(g, carry2):
                acc2, cnt2 = carry2
                m = ct_v[pl.ds(g * NL, NL)] > 0
                cnt2 = cnt2 + jnp.where(m, one, zero)
                for j in range(L):
                    d = lp_v[j, pl.ds(g * NL, NL)] - lt_v[j, pl.ds(g * NL, NL)]
                    ad = jnp.abs(d)
                    sl1 = jnp.where(ad < one, half * d * d, ad - half)
                    acc2 = acc2 + jnp.where(m, sl1, zero)
                return acc2, cnt2

            return lax.fori_loop(0, CHA // NL, g_body, (acc, cnt))

        acc, cnt = lax.fori_loop(0, nch, chunk_body, (zero, zero))
        s_v[...] = acc
        c_v[...] = cnt
        pltpu.sync_copy(s_v, sum_hbm.at[pl.ds(w * NL, NL)])
        pltpu.sync_copy(c_v, cnt_hbm.at[pl.ds(w * NL, NL)])

    s, n = _sc_body(lpT, ltT, ct)
    return jnp.sum(s), jnp.sum(n)


@jax.jit
def _ohem(loc_preds, loc_targets, cls_targets):
    B, A, L = loc_preds.shape
    lpT = jnp.transpose(loc_preds, (0, 2, 1))
    ltT = jnp.transpose(loc_targets, (0, 2, 1))
    ct = cls_targets.astype(jnp.int32)
    a_split = A - _A_SC
    s_sc, n_sc = _sc_part(lpT, ltT, ct, a_split, A)
    s_tc, n_tc = _tc_part(lpT, ltT, ct, 0, a_split)
    return 0.2 * (s_tc + s_sc) / (n_tc + n_sc)


def kernel(loc_preds, loc_targets, cls_preds, cls_targets):
    return _ohem(loc_preds, loc_targets, cls_targets)

# --- scband reference (transcript-rebuilt; emitter-appended) ---
"""Pipeline reference for scband-ohem-loss-8581344657452 (READ-ONLY COPY).

The authoritative reference and input builder live on the scoring server;
editing this copy changes nothing except your own understanding.
"""

import jax, jax.numpy as jnp
import numpy as np

NUM_CLASSES = 1
NEGPOS_RATIO = 3

def setup_inputs(seed: int = 0) -> dict:
    key = jax.random.key(seed)
    k1, k2, k3, k4 = jax.random.split(key, 4)
    B, A = 32, 65536
    loc_preds = jax.random.normal(k1, (B, A, 8), dtype=jnp.float32)
    loc_targets = jax.random.normal(k2, (B, A, 8), dtype=jnp.float32)
    cls_preds = jax.random.normal(k3, (B, A, NUM_CLASSES), dtype=jnp.float32)
    cls_targets = jax.random.randint(k4, (B, A), 0, 2).astype(jnp.int64)
    return {"loc_preds": loc_preds, "loc_targets": loc_targets, "cls_preds": cls_preds, "cls_targets": cls_targets}

def reference(loc_preds, loc_targets, cls_preds, cls_targets):
    num_classes = NUM_CLASSES
    cls_t = jnp.clip(cls_targets, 0, 1)
    pos = cls_t > 0  # [B, A]
    B, A = pos.shape
    # SmoothL1 over positive anchors, reduction='sum' (mask-multiply == boolean select + sum)
    diff = loc_preds - loc_targets
    absd = jnp.abs(diff)
    sl1 = jnp.where(absd < 1.0, 0.5 * diff * diff, absd - 0.5)
    loc_loss = jnp.sum(sl1 * pos[..., None].astype(sl1.dtype))
    num = B
    batch_conf = cls_preds.reshape(-1, num_classes)
    # log_sum_exp exactly as in the torch helper (global max)
    x_max = batch_conf.max()
    lse = jnp.log(jnp.sum(jnp.exp(batch_conf - x_max), axis=1, keepdims=True)) + x_max
    idx = jnp.clip(cls_t.reshape(-1, 1), 0, num_classes - 1)  # torch gather would OOB; jax clamps
    gathered = jnp.take_along_axis(batch_conf, idx, axis=1)
    loss_c = (lse - gathered).reshape(num, -1)
    loss_c = jnp.where(pos, 0.0, loss_c)
    # hard negative mining: rank by descending loss
    loss_idx = jnp.argsort(-loss_c, axis=1)
    idx_rank = jnp.argsort(loss_idx, axis=1)
    num_pos = jnp.sum(pos.astype(jnp.int32), axis=1, keepdims=True)
    num_neg = jnp.minimum(NEGPOS_RATIO * num_pos, A - 1)
    neg = idx_rank < num_neg
    mask = pos | neg
    # cross_entropy(sum) over selected anchors == masked sum of per-anchor CE
    logits = cls_preds.reshape(-1, num_classes)
    per_lse = jax.scipy.special.logsumexp(logits, axis=1)
    tgt = jnp.clip(cls_t.reshape(-1), 0, num_classes - 1)
    per_gather = jnp.take_along_axis(logits, tgt[:, None], axis=1)[:, 0]
    per_ce = per_lse - per_gather
    cls_loss = jnp.sum(per_ce.reshape(num, -1) * mask.astype(jnp.float32))
    N = num_pos.astype(jnp.float32).sum()
    loc_loss = loc_loss / N
    cls_loss = cls_loss / N
    total_loss = 0.2 * loc_loss + cls_loss
    return total_loss

if __name__ == "__main__":
    import jax
    _d = setup_inputs()
    print(jax.jit(kernel)(*tuple(_d.values())))

</pallas_src>

<mosaic_0001>
#map = affine_map<(d0, d1) -> (0, 0, 0)>
#map1 = affine_map<(d0, d1) -> (0, 0)>
#map2 = affine_map<(d0, d1) -> (0)>
module attributes {stable_mosaic.version = 14 : i64} {
  func.func @_sc_body(%arg0: i32, %arg1: i32, %arg2: memref<32x8x65536xf32, #tpu.memory_space<hbm>>, %arg3: memref<32x8x65536xf32, #tpu.memory_space<hbm>>, %arg4: memref<32x65536xi32, #tpu.memory_space<hbm>>, %arg5: memref<512xf32, #tpu.memory_space<hbm>>, %arg6: memref<512xf32, #tpu.memory_space<hbm>>, %arg7: memref<8x2048xf32, #tpu.memory_space<vmem>>, %arg8: memref<8x2048xf32, #tpu.memory_space<vmem>>, %arg9: memref<2048xi32, #tpu.memory_space<vmem>>, %arg10: memref<16xf32, #tpu.memory_space<vmem>>, %arg11: memref<16xf32, #tpu.memory_space<vmem>>) attributes {dimension_semantics = [#tpu.dimension_semantics<core_parallel>, #tpu.dimension_semantics<subcore_parallel>], iteration_bounds = array<i64: 2, 16>, scalar_prefetch = 0 : i64, scratch_operands = 5 : i64, tpu.core_type = #tpu.core_type<sc_vector_subcore>, window_params = [{transform_indices = #map}, {transform_indices = #map}, {transform_indices = #map1}, {transform_indices = #map2}, {transform_indices = #map2}]} {
    %mul3A = arith.constant 2 : i32
    %mul3A_0 = arith.muli %arg1, %mul3A : i32
    %add3A = arith.addi %mul3A_0, %arg0 : i32
    %broadcast_in_dim3A = arith.constant 0.000000e+00 : f32
    %broadcast_in_dim3A_1 = vector.broadcast %broadcast_in_dim3A : f32 to vector<16xf32>
    %broadcast_in_dim3A_2 = arith.constant 1.000000e+00 : f32
    %broadcast_in_dim3A_3 = vector.broadcast %broadcast_in_dim3A_2 : f32 to vector<16xf32>
    %broadcast_in_dim3A_4 = arith.constant 5.000000e-01 : f32
    %broadcast_in_dim3A_5 = vector.broadcast %broadcast_in_dim3A_4 : f32 to vector<16xf32>
    %scan3A = arith.constant 0 : i32
    %scan3A_6 = arith.constant 6 : i32
    %scan3A_7 = arith.addi %scan3A, %scan3A_6 : i32
    %scan3A_8 = arith.constant 1 : i32
    %scan3A_9:2 = scf.for %scan3A_22 = %scan3A to %scan3A_7 step %scan3A_8 iter_args(%scan3A_23 = %broadcast_in_dim3A_1, %scan3A_24 = %broadcast_in_dim3A_1) -> (vector<16xf32>, vector<16xf32>)  : i32 {
      %mul3A_25 = arith.constant 2048 : i32
      %mul3A_26 = arith.muli %scan3A_22, %mul3A_25 : i32
      %add3A_27 = arith.constant 53248 : i32
      %add3A_28 = arith.addi %add3A_27, %mul3A_26 : i32
      "tpu.region"() ({
        %run_scoped3A = tpu.sem_alloc : memref<!tpu.dma_semaphore, #tpu.memory_space<semaphore_mem>>
        %dma_start3A = arith.constant 0 : i32
        %dma_start3A_35 = tpu.memref_slice %arg2[%add3A, %dma_start3A, %add3A_28] : memref<32x8x65536xf32, #tpu.memory_space<hbm>> -> memref<1x8x2048xf32, #tpu.memory_space<hbm>>
        %dma_start3A_36 = tpu.memref_squeeze %dma_start3A_35 : memref<1x8x2048xf32, #tpu.memory_space<hbm>> -> memref<8x2048xf32, #tpu.memory_space<hbm>>
        %dma_start3A_37 = arith.constant 0 : i32
        %dma_start3A_38 = tpu.memref_slice %arg2[%add3A, %dma_start3A_37, %add3A_28] : memref<32x8x65536xf32, #tpu.memory_space<hbm>> -> memref<1x8x2048xf32, #tpu.memory_space<hbm>>
        %dma_start3A_39 = tpu.memref_squeeze %dma_start3A_38 : memref<1x8x2048xf32, #tpu.memory_space<hbm>> -> memref<8x2048xf32, #tpu.memory_space<hbm>>
        tpu.enqueue_dma source(%dma_start3A_39 : memref<8x2048xf32, #tpu.memory_space<hbm>>) target(%arg7 : memref<8x2048xf32, #tpu.memory_space<vmem>>) target_semaphore(%run_scoped3A : memref<!tpu.dma_semaphore, #tpu.memory_space<semaphore_mem>>)
        %dma_wait3A = arith.constant 0 : i32
        %dma_wait3A_40 = tpu.memref_slice %arg2[%add3A, %dma_wait3A, %add3A_28] : memref<32x8x65536xf32, #tpu.memory_space<hbm>> -> memref<1x8x2048xf32, #tpu.memory_space<hbm>>
        %dma_wait3A_41 = tpu.memref_squeeze %dma_wait3A_40 : memref<1x8x2048xf32, #tpu.memory_space<hbm>> -> memref<8x2048xf32, #tpu.memory_space<hbm>>
        %dma_wait3A_42 = arith.constant 0 : i32
        %dma_wait3A_43 = tpu.memref_slice %arg2[%add3A, %dma_wait3A_42, %add3A_28] : memref<32x8x65536xf32, #tpu.memory_space<hbm>> -> memref<1x8x2048xf32, #tpu.memory_space<hbm>>
        %dma_wait3A_44 = tpu.memref_squeeze %dma_wait3A_43 : memref<1x8x2048xf32, #tpu.memory_space<hbm>> -> memref<8x2048xf32, #tpu.memory_space<hbm>>
        tpu.wait_dma2 semaphore(%run_scoped3A : memref<!tpu.dma_semaphore, #tpu.memory_space<semaphore_mem>>) src(%dma_wait3A_44 : memref<8x2048xf32, #tpu.memory_space<hbm>>) dst(%arg7 : memref<8x2048xf32, #tpu.memory_space<vmem>>)
        tpu.yield
      }) : () -> ()
      "tpu.region"() ({
        %run_scoped3A = tpu.sem_alloc : memref<!tpu.dma_semaphore, #tpu.memory_space<semaphore_mem>>
        %dma_start3A = arith.constant 0 : i32
        %dma_start3A_35 = tpu.memref_slice %arg3[%add3A, %dma_start3A, %add3A_28] : memref<32x8x65536xf32, #tpu.memory_space<hbm>> -> memref<1x8x2048xf32, #tpu.memory_space<hbm>>
        %dma_start3A_36 = tpu.memref_squeeze %dma_start3A_35 : memref<1x8x2048xf32, #tpu.memory_space<hbm>> -> memref<8x2048xf32, #tpu.memory_space<hbm>>
        %dma_start3A_37 = arith.constant 0 : i32
        %dma_start3A_38 = tpu.memref_slice %arg3[%add3A, %dma_start3A_37, %add3A_28] : memref<32x8x65536xf32, #tpu.memory_space<hbm>> -> memref<1x8x2048xf32, #tpu.memory_space<hbm>>
        %dma_start3A_39 = tpu.memref_squeeze %dma_start3A_38 : memref<1x8x2048xf32, #tpu.memory_space<hbm>> -> memref<8x2048xf32, #tpu.memory_space<hbm>>
        tpu.enqueue_dma source(%dma_start3A_39 : memref<8x2048xf32, #tpu.memory_space<hbm>>) target(%arg8 : memref<8x2048xf32, #tpu.memory_space<vmem>>) target_semaphore(%run_scoped3A : memref<!tpu.dma_semaphore, #tpu.memory_space<semaphore_mem>>)
        %dma_wait3A = arith.constant 0 : i32
        %dma_wait3A_40 = tpu.memref_slice %arg3[%add3A, %dma_wait3A, %add3A_28] : memref<32x8x65536xf32, #tpu.memory_space<hbm>> -> memref<1x8x2048xf32, #tpu.memory_space<hbm>>
        %dma_wait3A_41 = tpu.memref_squeeze %dma_wait3A_40 : memref<1x8x2048xf32, #tpu.memory_space<hbm>> -> memref<8x2048xf32, #tpu.memory_space<hbm>>
        %dma_wait3A_42 = arith.constant 0 : i32
        %dma_wait3A_43 = tpu.memref_slice %arg3[%add3A, %dma_wait3A_42, %add3A_28] : memref<32x8x65536xf32, #tpu.memory_space<hbm>> -> memref<1x8x2048xf32, #tpu.memory_space<hbm>>
        %dma_wait3A_44 = tpu.memref_squeeze %dma_wait3A_43 : memref<1x8x2048xf32, #tpu.memory_space<hbm>> -> memref<8x2048xf32, #tpu.memory_space<hbm>>
        tpu.wait_dma2 semaphore(%run_scoped3A : memref<!tpu.dma_semaphore, #tpu.memory_space<semaphore_mem>>) src(%dma_wait3A_44 : memref<8x2048xf32, #tpu.memory_space<hbm>>) dst(%arg8 : memref<8x2048xf32, #tpu.memory_space<vmem>>)
        tpu.yield
      }) : () -> ()
      "tpu.region"() ({
        %run_scoped3A = tpu.sem_alloc : memref<!tpu.dma_semaphore, #tpu.memory_space<semaphore_mem>>
        %dma_start3A = tpu.memref_slice %arg4[%add3A, %add3A_28] : memref<32x65536xi32, #tpu.memory_space<hbm>> -> memref<1x2048xi32, #tpu.memory_space<hbm>>
        %dma_start3A_35 = tpu.memref_squeeze %dma_start3A : memref<1x2048xi32, #tpu.memory_space<hbm>> -> memref<2048xi32, #tpu.memory_space<hbm>>
        %dma_start3A_36 = tpu.memref_slice %arg4[%add3A, %add3A_28] : memref<32x65536xi32, #tpu.memory_space<hbm>> -> memref<1x2048xi32, #tpu.memory_space<hbm>>
        %dma_start3A_37 = tpu.memref_squeeze %dma_start3A_36 : memref<1x2048xi32, #tpu.memory_space<hbm>> -> memref<2048xi32, #tpu.memory_space<hbm>>
        tpu.enqueue_dma source(%dma_start3A_37 : memref<2048xi32, #tpu.memory_space<hbm>>) target(%arg9 : memref<2048xi32, #tpu.memory_space<vmem>>) target_semaphore(%run_scoped3A : memref<!tpu.dma_semaphore, #tpu.memory_space<semaphore_mem>>)
        %dma_wait3A = tpu.memref_slice %arg4[%add3A, %add3A_28] : memref<32x65536xi32, #tpu.memory_space<hbm>> -> memref<1x2048xi32, #tpu.memory_space<hbm>>
        %dma_wait3A_38 = tpu.memref_squeeze %dma_wait3A : memref<1x2048xi32, #tpu.memory_space<hbm>> -> memref<2048xi32, #tpu.memory_space<hbm>>
        %dma_wait3A_39 = tpu.memref_slice %arg4[%add3A, %add3A_28] : memref<32x65536xi32, #tpu.memory_space<hbm>> -> memref<1x2048xi32, #tpu.memory_space<hbm>>
        %dma_wait3A_40 = tpu.memref_squeeze %dma_wait3A_39 : memref<1x2048xi32, #tpu.memory_space<hbm>> -> memref<2048xi32, #tpu.memory_space<hbm>>
        tpu.wait_dma2 semaphore(%run_scoped3A : memref<!tpu.dma_semaphore, #tpu.memory_space<semaphore_mem>>) src(%dma_wait3A_40 : memref<2048xi32, #tpu.memory_space<hbm>>) dst(%arg9 : memref<2048xi32, #tpu.memory_space<vmem>>)
        tpu.yield
      }) : () -> ()
      %scan3A_29 = arith.constant 0 : i32
      %scan3A_30 = arith.constant 128 : i32
      %scan3A_31 = arith.addi %scan3A_29, %scan3A_30 : i32
      %scan3A_32 = arith.constant 1 : i32
      %scan3A_33:2 = scf.for %scan3A_35 = %scan3A_29 to %scan3A_31 step %scan3A_32 iter_args(%scan3A_36 = %scan3A_23, %scan3A_37 = %scan3A_24) -> (vector<16xf32>, vector<16xf32>)  : i32 {
        %mul3A_38 = arith.constant 16 : i32
        %mul3A_39 = arith.muli %scan3A_35, %mul3A_38 : i32
        %get3A = arith.index_cast %mul3A_39 : i32 to index
        %get3A_40 = tpu.vector_load %arg9[%get3A] {strides = array<i32>} : memref<2048xi32, #tpu.memory_space<vmem>>, vector<16xi32>,
        %get3A_41 = vector.shape_cast %get3A_40 : vector<16xi32> to vector<16xi32>
        %gt3A = arith.constant 0 : i32
        %gt3A_42 = vector.broadcast %gt3A : i32 to vector<16xi32>
        %gt3A_43 = arith.cmpi sgt, %get3A_41, %gt3A_42 : vector<16xi32>
        %select_n3A = arith.select %gt3A_43, %broadcast_in_dim3A_3, %broadcast_in_dim3A_1 : vector<16xi1>, vector<16xf32>
        %add3A_44 = arith.addf %scan3A_37, %select_n3A : vector<16xf32>
        %mul3A_45 = arith.constant 16 : i32
        %mul3A_46 = arith.muli %scan3A_35, %mul3A_45 : i32
        %get3A_47 = arith.constant 0 : i32
        %get3A_48 = arith.index_cast %get3A_47 : i32 to index
        %get3A_49 = arith.index_cast %mul3A_46 : i32 to index
        %get3A_50 = tpu.vector_load %arg7[%get3A_48, %get3A_49] {strides = array<i32>} : memref<8x2048xf32, #tpu.memory_space<vmem>>, vector<1x16xf32>,
        %get3A_51 = vector.shape_cast %get3A_50 : vector<1x16xf32> to vector<16xf32>
        %mul3A_52 = arith.constant 16 : i32
        %mul3A_53 = arith.muli %scan3A_35, %mul3A_52 : i32
        %get3A_54 = arith.constant 0 : i32
        %get3A_55 = arith.index_cast %get3A_54 : i32 to index
        %get3A_56 = arith.index_cast %mul3A_53 : i32 to index
        %get3A_57 = tpu.vector_load %arg8[%get3A_55, %get3A_56] {strides = array<i32>} : memref<8x2048xf32, #tpu.memory_space<vmem>>, vector<1x16xf32>,
        %get3A_58 = vector.shape_cast %get3A_57 : vector<1x16xf32> to vector<16xf32>
        %sub3A = arith.subf %get3A_51, %get3A_58 : vector<16xf32>
        %abs3A = math.absf %sub3A : vector<16xf32>
        %lt3A = arith.cmpf olt, %abs3A, %broadcast_in_dim3A_3 : vector<16xf32>
        %mul3A_59 = arith.mulf %broadcast_in_dim3A_5, %sub3A : vector<16xf32>
        %mul3A_60 = arith.mulf %mul3A_59, %sub3A : vector<16xf32>
        %sub3A_61 = arith.subf %abs3A, %broadcast_in_dim3A_5 : vector<16xf32>
        %select_n3A_62 = arith.select %lt3A, %mul3A_60, %sub3A_61 : vector<16xi1>, vector<16xf32>
        %select_n3A_63 = arith.select %gt3A_43, %select_n3A_62, %broadcast_in_dim3A_1 : vector<16xi1>, vector<16xf32>
        %add3A_64 = arith.addf %scan3A_36, %select_n3A_63 : vector<16xf32>
        %mul3A_65 = arith.constant 16 : i32
        %mul3A_66 = arith.muli %scan3A_35, %mul3A_65 : i32
        %get3A_67 = arith.constant 1 : i32
        %get3A_68 = arith.index_cast %get3A_67 : i32 to index
        %get3A_69 = arith.index_cast %mul3A_66 : i32 to index
        %get3A_70 = tpu.vector_load %arg7[%get3A_68, %get3A_69] {strides = array<i32>} : memref<8x2048xf32, #tpu.memory_space<vmem>>, vector<1x16xf32>,
        %get3A_71 = vector.shape_cast %get3A_70 : vector<1x16xf32> to vector<16xf32>
        %mul3A_72 = arith.constant 16 : i32
        %mul3A_73 = arith.muli %scan3A_35, %mul3A_72 : i32
        %get3A_74 = arith.constant 1 : i32
        %get3A_75 = arith.index_cast %get3A_74 : i32 to index
        %get3A_76 = arith.index_cast %mul3A_73 : i32 to index
        %get3A_77 = tpu.vector_load %arg8[%get3A_75, %get3A_76] {strides = array<i32>} : memref<8x2048xf32, #tpu.memory_space<vmem>>, vector<1x16xf32>,
        %get3A_78 = vector.shape_cast %get3A_77 : vector<1x16xf32> to vector<16xf32>
        %sub3A_79 = arith.subf %get3A_71, %get3A_78 : vector<16xf32>
        %abs3A_80 = math.absf %sub3A_79 : vector<16xf32>
        %lt3A_81 = arith.cmpf olt, %abs3A_80, %broadcast_in_dim3A_3 : vector<16xf32>
        %mul3A_82 = arith.mulf %broadcast_in_dim3A_5, %sub3A_79 : vector<16xf32>
        %mul3A_83 = arith.mulf %mul3A_82, %sub3A_79 : vector<16xf32>
        %sub3A_84 = arith.subf %abs3A_80, %broadcast_in_dim3A_5 : vector<16xf32>
        %select_n3A_85 = arith.select %lt3A_81, %mul3A_83, %sub3A_84 : vector<16xi1>, vector<16xf32>
        %select_n3A_86 = arith.select %gt3A_43, %select_n3A_85, %broadcast_in_dim3A_1 : vector<16xi1>, vector<16xf32>
        %add3A_87 = arith.addf %add3A_64, %select_n3A_86 : vector<16xf32>
        %mul3A_88 = arith.constant 16 : i32
        %mul3A_89 = arith.muli %scan3A_35, %mul3A_88 : i32
        %get3A_90 = arith.constant 2 : i32
        %get3A_91 = arith.index_cast %get3A_90 : i32 to index
        %get3A_92 = arith.index_cast %mul3A_89 : i32 to index
        %get3A_93 = tpu.vector_load %arg7[%get3A_91, %get3A_92] {strides = array<i32>} : memref<8x2048xf32, #tpu.memory_space<vmem>>, vector<1x16xf32>,
        %get3A_94 = vector.shape_cast %get3A_93 : vector<1x16xf32> to vector<16xf32>
        %mul3A_95 = arith.constant 16 : i32
        %mul3A_96 = arith.muli %scan3A_35, %mul3A_95 : i32
        %get3A_97 = arith.constant 2 : i32
        %get3A_98 = arith.index_cast %get3A_97 : i32 to index
        %get3A_99 = arith.index_cast %mul3A_96 : i32 to index
        %get3A_100 = tpu.vector_load %arg8[%get3A_98, %get3A_99] {strides = array<i32>} : memref<8x2048xf32, #tpu.memory_space<vmem>>, vector<1x16xf32>,
        %get3A_101 = vector.shape_cast %get3A_100 : vector<1x16xf32> to vector<16xf32>
        %sub3A_102 = arith.subf %get3A_94, %get3A_101 : vector<16xf32>
        %abs3A_103 = math.absf %sub3A_102 : vector<16xf32>
        %lt3A_104 = arith.cmpf olt, %abs3A_103, %broadcast_in_dim3A_3 : vector<16xf32>
        %mul3A_105 = arith.mulf %broadcast_in_dim3A_5, %sub3A_102 : vector<16xf32>
        %mul3A_106 = arith.mulf %mul3A_105, %sub3A_102 : vector<16xf32>
        %sub3A_107 = arith.subf %abs3A_103, %broadcast_in_dim3A_5 : vector<16xf32>
        %select_n3A_108 = arith.select %lt3A_104, %mul3A_106, %sub3A_107 : vector<16xi1>, vector<16xf32>
        %select_n3A_109 = arith.select %gt3A_43, %select_n3A_108, %broadcast_in_dim3A_1 : vector<16xi1>, vector<16xf32>
        %add3A_110 = arith.addf %add3A_87, %select_n3A_109 : vector<16xf32>
        %mul3A_111 = arith.constant 16 : i32
        %mul3A_112 = arith.muli %scan3A_35, %mul3A_111 : i32
        %get3A_113 = arith.constant 3 : i32
        %get3A_114 = arith.index_cast %get3A_113 : i32 to index
        %get3A_115 = arith.index_cast %mul3A_112 : i32 to index
        %get3A_116 = tpu.vector_load %arg7[%get3A_114, %get3A_115] {strides = array<i32>} : memref<8x2048xf32, #tpu.memory_space<vmem>>, vector<1x16xf32>,
        %get3A_117 = vector.shape_cast %get3A_116 : vector<1x16xf32> to vector<16xf32>
        %mul3A_118 = arith.constant 16 : i32
        %mul3A_119 = arith.muli %scan3A_35, %mul3A_118 : i32
        %get3A_120 = arith.constant 3 : i32
        %get3A_121 = arith.index_cast %get3A_120 : i32 to index
        %get3A_122 = arith.index_cast %mul3A_119 : i32 to index
        %get3A_123 = tpu.vector_load %arg8[%get3A_121, %get3A_122] {strides = array<i32>} : memref<8x2048xf32, #tpu.memory_space<vmem>>, vector<1x16xf32>,
        %get3A_124 = vector.shape_cast %get3A_123 : vector<1x16xf32> to vector<16xf32>
        %sub3A_125 = arith.subf %get3A_117, %get3A_124 : vector<16xf32>
        %abs3A_126 = math.absf %sub3A_125 : vector<16xf32>
        %lt3A_127 = arith.cmpf olt, %abs3A_126, %broadcast_in_dim3A_3 : vector<16xf32>
        %mul3A_128 = arith.mulf %broadcast_in_dim3A_5, %sub3A_125 : vector<16xf32>
        %mul3A_129 = arith.mulf %mul3A_128, %sub3A_125 : vector<16xf32>
        %sub3A_130 = arith.subf %abs3A_126, %broadcast_in_dim3A_5 : vector<16xf32>
        %select_n3A_131 = arith.select %lt3A_127, %mul3A_129, %sub3A_130 : vector<16xi1>, vector<16xf32>
        %select_n3A_132 = arith.select %gt3A_43, %select_n3A_131, %broadcast_in_dim3A_1 : vector<16xi1>, vector<16xf32>
        %add3A_133 = arith.addf %add3A_110, %select_n3A_132 : vector<16xf32>
        %mul3A_134 = arith.constant 16 : i32
        %mul3A_135 = arith.muli %scan3A_35, %mul3A_134 : i32
        %get3A_136 = arith.constant 4 : i32
        %get3A_137 = arith.index_cast %get3A_136 : i32 to index
        %get3A_138 = arith.index_cast %mul3A_135 : i32 to index
        %get3A_139 = tpu.vector_load %arg7[%get3A_137, %get3A_138] {strides = array<i32>} : memref<8x2048xf32, #tpu.memory_space<vmem>>, vector<1x16xf32>,
        %get3A_140 = vector.shape_cast %get3A_139 : vector<1x16xf32> to vector<16xf32>
        %mul3A_141 = arith.constant 16 : i32
        %mul3A_142 = arith.muli %scan3A_35, %mul3A_141 : i32
        %get3A_143 = arith.constant 4 : i32
        %get3A_144 = arith.index_cast %get3A_143 : i32 to index
        %get3A_145 = arith.index_cast %mul3A_142 : i32 to index
        %get3A_146 = tpu.vector_load %arg8[%get3A_144, %get3A_145] {strides = array<i32>} : memref<8x2048xf32, #tpu.memory_space<vmem>>, vector<1x16xf32>,
        %get3A_147 = vector.shape_cast %get3A_146 : vector<1x16xf32> to vector<16xf32>
        %sub3A_148 = arith.subf %get3A_140, %get3A_147 : vector<16xf32>
        %abs3A_149 = math.absf %sub3A_148 : vector<16xf32>
        %lt3A_150 = arith.cmpf olt, %abs3A_149, %broadcast_in_dim3A_3 : vector<16xf32>
        %mul3A_151 = arith.mulf %broadcast_in_dim3A_5, %sub3A_148 : vector<16xf32>
        %mul3A_152 = arith.mulf %mul3A_151, %sub3A_148 : vector<16xf32>
        %sub3A_153 = arith.subf %abs3A_149, %broadcast_in_dim3A_5 : vector<16xf32>
        %select_n3A_154 = arith.select %lt3A_150, %mul3A_152, %sub3A_153 : vector<16xi1>, vector<16xf32>
        %select_n3A_155 = arith.select %gt3A_43, %select_n3A_154, %broadcast_in_dim3A_1 : vector<16xi1>, vector<16xf32>
        %add3A_156 = arith.addf %add3A_133, %select_n3A_155 : vector<16xf32>
        %mul3A_157 = arith.constant 16 : i32
        %mul3A_158 = arith.muli %scan3A_35, %mul3A_157 : i32
        %get3A_159 = arith.constant 5 : i32
        %get3A_160 = arith.index_cast %get3A_159 : i32 to index
        %get3A_161 = arith.index_cast %mul3A_158 : i32 to index
        %get3A_162 = tpu.vector_load %arg7[%get3A_160, %get3A_161] {strides = array<i32>} : memref<8x2048xf32, #tpu.memory_space<vmem>>, vector<1x16xf32>,
        %get3A_163 = vector.shape_cast %get3A_162 : vector<1x16xf32> to vector<16xf32>
        %mul3A_164 = arith.constant 16 : i32
        %mul3A_165 = arith.muli %scan3A_35, %mul3A_164 : i32
        %get3A_166 = arith.constant 5 : i32
        %get3A_167 = arith.index_cast %get3A_166 : i32 to index
        %get3A_168 = arith.index_cast %mul3A_165 : i32 to index
        %get3A_169 = tpu.vector_load %arg8[%get3A_167, %get3A_168] {strides = array<i32>} : memref<8x2048xf32, #tpu.memory_space<vmem>>, vector<1x16xf32>,
        %get3A_170 = vector.shape_cast %get3A_169 : vector<1x16xf32> to vector<16xf32>
        %sub3A_171 = arith.subf %get3A_163, %get3A_170 : vector<16xf32>
        %abs3A_172 = math.absf %sub3A_171 : vector<16xf32>
        %lt3A_173 = arith.cmpf olt, %abs3A_172, %broadcast_in_dim3A_3 : vector<16xf32>
        %mul3A_174 = arith.mulf %broadcast_in_dim3A_5, %sub3A_171 : vector<16xf32>
        %mul3A_175 = arith.mulf %mul3A_174, %sub3A_171 : vector<16xf32>
        %sub3A_176 = arith.subf %abs3A_172, %broadcast_in_dim3A_5 : vector<16xf32>
        %select_n3A_177 = arith.select %lt3A_173, %mul3A_175, %sub3A_176 : vector<16xi1>, vector<16xf32>
        %select_n3A_178 = arith.select %gt3A_43, %select_n3A_177, %broadcast_in_dim3A_1 : vector<16xi1>, vector<16xf32>
        %add3A_179 = arith.addf %add3A_156, %select_n3A_178 : vector<16xf32>
        %mul3A_180 = arith.constant 16 : i32
        %mul3A_181 = arith.muli %scan3A_35, %mul3A_180 : i32
        %get3A_182 = arith.constant 6 : i32
        %get3A_183 = arith.index_cast %get3A_182 : i32 to index
        %get3A_184 = arith.index_cast %mul3A_181 : i32 to index
        %get3A_185 = tpu.vector_load %arg7[%get3A_183, %get3A_184] {strides = array<i32>} : memref<8x2048xf32, #tpu.memory_space<vmem>>, vector<1x16xf32>,
        %get3A_186 = vector.shape_cast %get3A_185 : vector<1x16xf32> to vector<16xf32>
        %mul3A_187 = arith.constant 16 : i32
        %mul3A_188 = arith.muli %scan3A_35, %mul3A_187 : i32
        %get3A_189 = arith.constant 6 : i32
        %get3A_190 = arith.index_cast %get3A_189 : i32 to index
        %get3A_191 = arith.index_cast %mul3A_188 : i32 to index
        %get3A_192 = tpu.vector_load %arg8[%get3A_190, %get3A_191] {strides = array<i32>} : memref<8x2048xf32, #tpu.memory_space<vmem>>, vector<1x16xf32>,
        %get3A_193 = vector.shape_cast %get3A_192 : vector<1x16xf32> to vector<16xf32>
        %sub3A_194 = arith.subf %get3A_186, %get3A_193 : vector<16xf32>
        %abs3A_195 = math.absf %sub3A_194 : vector<16xf32>
        %lt3A_196 = arith.cmpf olt, %abs3A_195, %broadcast_in_dim3A_3 : vector<16xf32>
        %mul3A_197 = arith.mulf %broadcast_in_dim3A_5, %sub3A_194 : vector<16xf32>
        %mul3A_198 = arith.mulf %mul3A_197, %sub3A_194 : vector<16xf32>
        %sub3A_199 = arith.subf %abs3A_195, %broadcast_in_dim3A_5 : vector<16xf32>
        %select_n3A_200 = arith.select %lt3A_196, %mul3A_198, %sub3A_199 : vector<16xi1>, vector<16xf32>
        %select_n3A_201 = arith.select %gt3A_43, %select_n3A_200, %broadcast_in_dim3A_1 : vector<16xi1>, vector<16xf32>
        %add3A_202 = arith.addf %add3A_179, %select_n3A_201 : vector<16xf32>
        %mul3A_203 = arith.constant 16 : i32
        %mul3A_204 = arith.muli %scan3A_35, %mul3A_203 : i32
        %get3A_205 = arith.constant 7 : i32
        %get3A_206 = arith.index_cast %get3A_205 : i32 to index
        %get3A_207 = arith.index_cast %mul3A_204 : i32 to index
        %get3A_208 = tpu.vector_load %arg7[%get3A_206, %get3A_207] {strides = array<i32>} : memref<8x2048xf32, #tpu.memory_space<vmem>>, vector<1x16xf32>,
        %get3A_209 = vector.shape_cast %get3A_208 : vector<1x16xf32> to vector<16xf32>
        %mul3A_210 = arith.constant 16 : i32
        %mul3A_211 = arith.muli %scan3A_35, %mul3A_210 : i32
        %get3A_212 = arith.constant 7 : i32
        %get3A_213 = arith.index_cast %get3A_212 : i32 to index
        %get3A_214 = arith.index_cast %mul3A_211 : i32 to index
        %get3A_215 = tpu.vector_load %arg8[%get3A_213, %get3A_214] {strides = array<i32>} : memref<8x2048xf32, #tpu.memory_space<vmem>>, vector<1x16xf32>,
        %get3A_216 = vector.shape_cast %get3A_215 : vector<1x16xf32> to vector<16xf32>
        %sub3A_217 = arith.subf %get3A_209, %get3A_216 : vector<16xf32>
        %abs3A_218 = math.absf %sub3A_217 : vector<16xf32>
        %lt3A_219 = arith.cmpf olt, %abs3A_218, %broadcast_in_dim3A_3 : vector<16xf32>
        %mul3A_220 = arith.mulf %broadcast_in_dim3A_5, %sub3A_217 : vector<16xf32>
        %mul3A_221 = arith.mulf %mul3A_220, %sub3A_217 : vector<16xf32>
        %sub3A_222 = arith.subf %abs3A_218, %broadcast_in_dim3A_5 : vector<16xf32>
        %select_n3A_223 = arith.select %lt3A_219, %mul3A_221, %sub3A_222 : vector<16xi1>, vector<16xf32>
        %select_n3A_224 = arith.select %gt3A_43, %select_n3A_223, %broadcast_in_dim3A_1 : vector<16xi1>, vector<16xf32>
        %add3A_225 = arith.addf %add3A_202, %select_n3A_224 : vector<16xf32>
        scf.yield %add3A_225, %add3A_44 : vector<16xf32>, vector<16xf32>
      }
      %scan3A_34 = arith.constant 128 : i32
      scf.yield %scan3A_33#0, %scan3A_33#1 : vector<16xf32>, vector<16xf32>
    }
    %scan3A_10 = arith.constant 6 : i32
    %swap3A = arith.constant 0 : index
    %swap3A_11 = tpu.vector_load %arg10[%swap3A] {strides = array<i32>} : memref<16xf32, #tpu.memory_space<vmem>>, vector<16xf32>,
    %swap3A_12 = vector.shape_cast %swap3A_11 : vector<16xf32> to vector<16xf32>
    %swap3A_13 = vector.shape_cast %scan3A_9#0 : vector<16xf32> to vector<16xf32>
    tpu.vector_store %arg10[%swap3A], %swap3A_13 {strides = array<i32>} : memref<16xf32, #tpu.memory_space<vmem>>, vector<16xf32>,
    %swap3A_14 = arith.constant 0 : index
    %swap3A_15 = tpu.vector_load %arg11[%swap3A_14] {strides = array<i32>} : memref<16xf32, #tpu.memory_space<vmem>>, vector<16xf32>,
    %swap3A_16 = vector.shape_cast %swap3A_15 : vector<16xf32> to vector<16xf32>
    %swap3A_17 = vector.shape_cast %scan3A_9#1 : vector<16xf32> to vector<16xf32>
    tpu.vector_store %arg11[%swap3A_14], %swap3A_17 {strides = array<i32>} : memref<16xf32, #tpu.memory_space<vmem>>, vector<16xf32>,
    %mul3A_18 = arith.constant 16 : i32
    %mul3A_19 = arith.muli %add3A, %mul3A_18 : i32
    "tpu.region"() ({
      %run_scoped3A = tpu.sem_alloc : memref<!tpu.dma_semaphore, #tpu.memory_space<semaphore_mem>>
      %dma_start3A = tpu.memref_slice %arg5[%mul3A_19] : memref<512xf32, #tpu.memory_space<hbm>> -> memref<16xf32, #tpu.memory_space<hbm>>
      %dma_start3A_22 = tpu.memref_slice %arg5[%mul3A_19] : memref<512xf32, #tpu.memory_space<hbm>> -> memref<16xf32, #tpu.memory_space<hbm>>
      tpu.enqueue_dma source(%arg10 : memref<16xf32, #tpu.memory_space<vmem>>) target(%dma_start3A_22 : memref<16xf32, #tpu.memory_space<hbm>>) target_semaphore(%run_scoped3A : memref<!tpu.dma_semaphore, #tpu.memory_space<semaphore_mem>>)
      %dma_wait3A = tpu.memref_slice %arg5[%mul3A_19] : memref<512xf32, #tpu.memory_space<hbm>> -> memref<16xf32, #tpu.memory_space<hbm>>
      %dma_wait3A_23 = tpu.memref_slice %arg5[%mul3A_19] : memref<512xf32, #tpu.memory_space<hbm>> -> memref<16xf32, #tpu.memory_space<hbm>>
      tpu.wait_dma2 semaphore(%run_scoped3A : memref<!tpu.dma_semaphore, #tpu.memory_space<semaphore_mem>>) src(%arg10 : memref<16xf32, #tpu.memory_space<vmem>>) dst(%dma_wait3A_23 : memref<16xf32, #tpu.memory_space<hbm>>)
      tpu.yield
    }) : () -> ()
    %mul3A_20 = arith.constant 16 : i32
    %mul3A_21 = arith.muli %add3A, %mul3A_20 : i32
    "tpu.region"() ({
      %run_scoped3A = tpu.sem_alloc : memref<!tpu.dma_semaphore, #tpu.memory_space<semaphore_mem>>
      %dma_start3A = tpu.memref_slice %arg6[%mul3A_21] : memref<512xf32, #tpu.memory_space<hbm>> -> memref<16xf32, #tpu.memory_space<hbm>>
      %dma_start3A_22 = tpu.memref_slice %arg6[%mul3A_21] : memref<512xf32, #tpu.memory_space<hbm>> -> memref<16xf32, #tpu.memory_space<hbm>>
      tpu.enqueue_dma source(%arg11 : memref<16xf32, #tpu.memory_space<vmem>>) target(%dma_start3A_22 : memref<16xf32, #tpu.memory_space<hbm>>) target_semaphore(%run_scoped3A : memref<!tpu.dma_semaphore, #tpu.memory_space<semaphore_mem>>)
      %dma_wait3A = tpu.memref_slice %arg6[%mul3A_21] : memref<512xf32, #tpu.memory_space<hbm>> -> memref<16xf32, #tpu.memory_space<hbm>>
      %dma_wait3A_23 = tpu.memref_slice %arg6[%mul3A_21] : memref<512xf32, #tpu.memory_space<hbm>> -> memref<16xf32, #tpu.memory_space<hbm>>
      tpu.wait_dma2 semaphore(%run_scoped3A : memref<!tpu.dma_semaphore, #tpu.memory_space<semaphore_mem>>) src(%arg11 : memref<16xf32, #tpu.memory_space<vmem>>) dst(%dma_wait3A_23 : memref<16xf32, #tpu.memory_space<hbm>>)
      tpu.yield
    }) : () -> ()
    return
  }
}

module attributes {stable_mosaic.version = 14 : i64} {
  func.func @_tc_body(%arg0: i32, %arg1: memref<32x8x4096xf32, #tpu.memory_space<vmem>>, %arg2: memref<32x8x4096xf32, #tpu.memory_space<vmem>>, %arg3: memref<32x4096xi32, #tpu.memory_space<vmem>>, %arg4: memref<1x1xf32, #tpu.memory_space<smem>>, %arg5: memref<1x1xf32, #tpu.memory_space<smem>>, %arg6: memref<32x8x4096xf32, #tpu.memory_space<vmem>>, %arg7: memref<32x4096xf32, #tpu.memory_space<vmem>>) attributes {dimension_semantics = [#tpu.dimension_semantics<arbitrary>], iteration_bounds = array<i64: 13>, scalar_prefetch = 0 : i64, scratch_operands = 2 : i64, tpu.core_type = #tpu.core_type<tc>, window_params = [{transform_indices = @transform_0, window_bounds = array<i64: 32, 8, 4096>}, {transform_indices = @transform_1, window_bounds = array<i64: 32, 8, 4096>}, {transform_indices = @transform_2, window_bounds = array<i64: 32, 4096>}, {transform_indices = @transform_3, window_bounds = array<i64: 1, 1>}, {transform_indices = @transform_4, window_bounds = array<i64: 1, 1>}]} {
    %eq3A = arith.constant 0 : i32
    %eq3A_0 = arith.cmpi eq, %arg0, %eq3A : i32
    %convert_element_type3A = arith.extui %eq3A_0 : i1 to i32
    %cond3A = arith.constant 0 : i32
    %cond3A_1 = arith.cmpi ne, %convert_element_type3A, %cond3A : i32
    scf.if %cond3A_1 {
      %broadcast_in_dim3A_45 = arith.constant 0.000000e+00 : f32
      %broadcast_in_dim3A_46 = vector.broadcast %broadcast_in_dim3A_45 : f32 to vector<32x8x4096xf32>
      %swap3A_47 = arith.constant 0 : index
      %swap3A_48 = arith.constant 0 : index
      %swap3A_49 = arith.constant 0 : index
      %swap3A_50 = vector.load %arg6[%swap3A_47, %swap3A_48, %swap3A_49] : memref<32x8x4096xf32, #tpu.memory_space<vmem>>, vector<32x8x4096xf32>
      tpu.vector_store %arg6[%swap3A_47, %swap3A_48, %swap3A_49], %broadcast_in_dim3A_46 {strides = array<i32>} : memref<32x8x4096xf32, #tpu.memory_space<vmem>>, vector<32x8x4096xf32>,
      %broadcast_in_dim3A_51 = arith.constant 0.000000e+00 : f32
      %broadcast_in_dim3A_52 = vector.broadcast %broadcast_in_dim3A_51 : f32 to vector<32x4096xf32>
      %swap3A_53 = arith.constant 0 : index
      %swap3A_54 = arith.constant 0 : index
      %swap3A_55 = vector.load %arg7[%swap3A_53, %swap3A_54] : memref<32x4096xf32, #tpu.memory_space<vmem>>, vector<32x4096xf32>
      tpu.vector_store %arg7[%swap3A_53, %swap3A_54], %broadcast_in_dim3A_52 {strides = array<i32>} : memref<32x4096xf32, #tpu.memory_space<vmem>>, vector<32x4096xf32>,
    } else {
    }
    %get3A = arith.constant 0 : index
    %get3A_2 = arith.constant 0 : index
    %get3A_3 = arith.constant 0 : index
    %get3A_4 = vector.load %arg1[%get3A, %get3A_2, %get3A_3] : memref<32x8x4096xf32, #tpu.memory_space<vmem>>, vector<32x8x4096xf32>
    %get3A_5 = arith.constant 0 : index
    %get3A_6 = arith.constant 0 : index
    %get3A_7 = arith.constant 0 : index
    %get3A_8 = vector.load %arg2[%get3A_5, %get3A_6, %get3A_7] : memref<32x8x4096xf32, #tpu.memory_space<vmem>>, vector<32x8x4096xf32>
    %sub3A = arith.subf %get3A_4, %get3A_8 : vector<32x8x4096xf32>
    %abs3A = math.absf %sub3A : vector<32x8x4096xf32>
    %lt3A = arith.constant 1.000000e+00 : f32
    %lt3A_9 = vector.broadcast %lt3A : f32 to vector<32x8x4096xf32>
    %lt3A_10 = arith.cmpf olt, %abs3A, %lt3A_9 : vector<32x8x4096xf32>
    %mul3A = arith.constant 5.000000e-01 : f32
    %mul3A_11 = vector.broadcast %mul3A : f32 to vector<32x8x4096xf32>
    %mul3A_12 = arith.mulf %mul3A_11, %sub3A : vector<32x8x4096xf32>
    %mul3A_13 = arith.mulf %mul3A_12, %sub3A : vector<32x8x4096xf32>
    %sub3A_14 = arith.constant 5.000000e-01 : f32
    %sub3A_15 = vector.broadcast %sub3A_14 : f32 to vector<32x8x4096xf32>
    %sub3A_16 = arith.subf %abs3A, %sub3A_15 : vector<32x8x4096xf32>
    %select_n3A = arith.select %lt3A_10, %mul3A_13, %sub3A_16 : vector<32x8x4096xi1>, vector<32x8x4096xf32>
    %get3A_17 = arith.constant 0 : index
    %get3A_18 = arith.constant 0 : index
    %get3A_19 = vector.load %arg3[%get3A_17, %get3A_18] : memref<32x4096xi32, #tpu.memory_space<vmem>>, vector<32x4096xi32>
    %gt3A = arith.constant 0 : i32
    %gt3A_20 = vector.broadcast %gt3A : i32 to vector<32x4096xi32>
    %gt3A_21 = arith.cmpi sgt, %get3A_19, %gt3A_20 : vector<32x4096xi32>
    %convert_element_type3A_22 = arith.extui %gt3A_21 : vector<32x4096xi1> to vector<32x4096xi32>
    %convert_element_type3A_23 = arith.sitofp %convert_element_type3A_22 : vector<32x4096xi32> to vector<32x4096xf32>
    %get3A_24 = arith.constant 0 : index
    %get3A_25 = arith.constant 0 : index
    %get3A_26 = arith.constant 0 : index
    %get3A_27 = vector.load %arg6[%get3A_24, %get3A_25, %get3A_26] : memref<32x8x4096xf32, #tpu.memory_space<vmem>>, vector<32x8x4096xf32>
    %broadcast_in_dim3A = vector.shape_cast %convert_element_type3A_23 : vector<32x4096xf32> to vector<32x1x4096xf32>
    %mul3A_28 = vector.broadcast %broadcast_in_dim3A : vector<32x1x4096xf32> to vector<32x8x4096xf32>
    %mul3A_29 = arith.mulf %select_n3A, %mul3A_28 : vector<32x8x4096xf32>
    %add3A = arith.addf %get3A_27, %mul3A_29 : vector<32x8x4096xf32>
    %swap3A = arith.constant 0 : index
    %swap3A_30 = arith.constant 0 : index
    %swap3A_31 = arith.constant 0 : index
    %swap3A_32 = vector.load %arg6[%swap3A, %swap3A_30, %swap3A_31] : memref<32x8x4096xf32, #tpu.memory_space<vmem>>, vector<32x8x4096xf32>
    tpu.vector_store %arg6[%swap3A, %swap3A_30, %swap3A_31], %add3A {strides = array<i32>} : memref<32x8x4096xf32, #tpu.memory_space<vmem>>, vector<32x8x4096xf32>,
    %get3A_33 = arith.constant 0 : index
    %get3A_34 = arith.constant 0 : index
    %get3A_35 = vector.load %arg7[%get3A_33, %get3A_34] : memref<32x4096xf32, #tpu.memory_space<vmem>>, vector<32x4096xf32>
    %add3A_36 = arith.addf %get3A_35, %convert_element_type3A_23 : vector<32x4096xf32>
    %swap3A_37 = arith.constant 0 : index
    %swap3A_38 = arith.constant 0 : index
    %swap3A_39 = vector.load %arg7[%swap3A_37, %swap3A_38] : memref<32x4096xf32, #tpu.memory_space<vmem>>, vector<32x4096xf32>
    tpu.vector_store %arg7[%swap3A_37, %swap3A_38], %add3A_36 {strides = array<i32>} : memref<32x4096xf32, #tpu.memory_space<vmem>>, vector<32x4096xf32>,
    %eq3A_40 = arith.constant 12 : i32
    %eq3A_41 = arith.cmpi eq, %arg0, %eq3A_40 : i32
    %convert_element_type3A_42 = arith.extui %eq3A_41 : i1 to i32
    %cond3A_43 = arith.constant 0 : i32
    %cond3A_44 = arith.cmpi ne, %convert_element_type3A_42, %cond3A_43 : i32
    scf.if %cond3A_44 {
      %get3A_45 = arith.constant 0 : index
      %get3A_46 = arith.constant 0 : index
      %get3A_47 = arith.constant 0 : index
      %get3A_48 = vector.load %arg6[%get3A_45, %get3A_46, %get3A_47] : memref<32x8x4096xf32, #tpu.memory_space<vmem>>, vector<32x8x4096xf32>
      %reduce_sum3A = vector.shape_cast %get3A_48 : vector<32x8x4096xf32> to vector<1x32x8x4096xf32>
      %reduce_sum3A_49 = arith.constant dense<0.000000e+00> : vector<1xf32>
      %reduce_sum3A_50 = vector.multi_reduction <add>, %reduce_sum3A, %reduce_sum3A_49 [1, 2, 3] : vector<1x32x8x4096xf32> to vector<1xf32>
      %reduce_sum3A_51 = vector.shape_cast %reduce_sum3A_50 : vector<1xf32> to vector<1x1x1x1xf32>
      %reduce_sum3A_52 = vector.extract %reduce_sum3A_51[0, 0, 0, 0] : f32 from vector<1x1x1x1xf32>
      %swap3A_53 = arith.constant 0 : index
      %swap3A_54 = arith.constant 0 : index
      %swap3A_55 = memref.load %arg4[%swap3A_53, %swap3A_54] : memref<1x1xf32, #tpu.memory_space<smem>>
      memref.store %reduce_sum3A_52, %arg4[%swap3A_53, %swap3A_54] : memref<1x1xf32, #tpu.memory_space<smem>>
      %get3A_56 = arith.constant 0 : index
      %get3A_57 = arith.constant 0 : index
      %get3A_58 = vector.load %arg7[%get3A_56, %get3A_57] : memref<32x4096xf32, #tpu.memory_space<vmem>>, vector<32x4096xf32>
      %reduce_sum3A_59 = vector.shape_cast %get3A_58 : vector<32x4096xf32> to vector<1x32x4096xf32>
      %reduce_sum3A_60 = arith.constant dense<0.000000e+00> : vector<1xf32>
      %reduce_sum3A_61 = vector.multi_reduction <add>, %reduce_sum3A_59, %reduce_sum3A_60 [1, 2] : vector<1x32x4096xf32> to vector<1xf32>
      %reduce_sum3A_62 = vector.shape_cast %reduce_sum3A_61 : vector<1xf32> to vector<1x1x1xf32>
      %reduce_sum3A_63 = vector.extract %reduce_sum3A_62[0, 0, 0] : f32 from vector<1x1x1xf32>
      %swap3A_64 = arith.constant 0 : index
      %swap3A_65 = arith.constant 0 : index
      %swap3A_66 = memref.load %arg5[%swap3A_64, %swap3A_65] : memref<1x1xf32, #tpu.memory_space<smem>>
      memref.store %reduce_sum3A_63, %arg5[%swap3A_64, %swap3A_65] : memref<1x1xf32, #tpu.memory_space<smem>>
    } else {
    }
    return
  }
  func.func @transform_0(%arg0: i32) -> (i32, i32, i32) {
    %add3A = arith.constant 0 : i32
    %add3A_0 = arith.addi %arg0, %add3A : i32
    %c0_i32 = arith.constant 0 : i32
    %c0_i32_1 = arith.constant 0 : i32
    %c0_i32_2 = arith.constant 0 : i32
    return %c0_i32, %c0_i32_1, %add3A_0 : i32, i32, i32
  }
  func.func @transform_1(%arg0: i32) -> (i32, i32, i32) {
    %add3A = arith.constant 0 : i32
    %add3A_0 = arith.addi %arg0, %add3A : i32
    %c0_i32 = arith.constant 0 : i32
    %c0_i32_1 = arith.constant 0 : i32
    %c0_i32_2 = arith.constant 0 : i32
    return %c0_i32, %c0_i32_1, %add3A_0 : i32, i32, i32
  }
  func.func @transform_2(%arg0: i32) -> (i32, i32) {
    %add3A = arith.constant 0 : i32
    %add3A_0 = arith.addi %arg0, %add3A : i32
    %c0_i32 = arith.constant 0 : i32
    %c0_i32_1 = arith.constant 0 : i32
    return %c0_i32, %add3A_0 : i32, i32
  }
  func.func @transform_3(%arg0: i32) -> (i32, i32) {
    %c0_i32 = arith.constant 0 : i32
    %c0_i32_0 = arith.constant 0 : i32
    %c0_i32_1 = arith.constant 0 : i32
    return %c0_i32, %c0_i32_0 : i32, i32
  }
  func.func @transform_4(%arg0: i32) -> (i32, i32) {
    %c0_i32 = arith.constant 0 : i32
    %c0_i32_0 = arith.constant 0 : i32
    %c0_i32_1 = arith.constant 0 : i32
    return %c0_i32, %c0_i32_0 : i32, i32
  }
}

</mosaic_0001>

<sc_bundles>
// kernel: _ohem.4.cloned.1.call-start
scs
__scs_entry_jumppad:
0x0: {  	(pc) =	sbr.rel $0x88, $3  }
0x1: {  	(tag) =	ssettag $0x0;
	lr =	simm.s32 $0x1  }
0x2: {  	[smem:$0x3F9E] =	sst lr;
	_ =	strace $0xD0000000  }
0x3: {  	_ = 	snop  }
0x4: {  	_ = 	snop  }
0x5: {  	_ = 	snop  }
0x6: {  	_ = 	snop  }
0x7: {  	_ = 	snop  }
__scs_overlays_trampoline_lowered:
0x8: {  	[smem:$0x3FAD] =	sst s0  }
0x9: {  	[smem:$0x3FAE] =	sst s1  }
0xa: {  	[smem:$0x3FAF] =	sst s2  }
0xb: {  	[smem:$0x3FB0] =	sst s3  }
0xc: {  	[smem:$0x3FB1] =	sst s4  }
0xd: {  	[smem:$0x3FB2] =	sst s5  }
0xe: {  	[smem:$0x3FB3] =	sst s6  }
0xf: {  	[smem:$0x3FB4] =	sst s7  }
0x10: {  	[smem:$0x3FB5] =	sst s8  }
0x11: {  	[smem:$0x3FB6] =	sst s9;
	s0 =	simm.s32 @!p0 $0x0  }
0x12: {  	s1 =	sld [smem:$0x3F9C];
	s0 =	simm.s32 @p0 $0x1  }
0x13: {  	[smem:$0x3FB7] =	sst s0;
	s0 =	simm.s32 @!p1 $0x0  }
0x14: {  	s2 =	sld [smem:$0x3F9B];
	s0 =	simm.s32 @p1 $0x1  }
0x15: {  	[smem:$0x3FB8] =	sst s0;
	s0 =	simm.s32 @!p2 $0x0  }
0x16: {  	s3 =	sld [smem:$0x3FDB];
	s0 =	simm.s32 @p2 $0x1  }
0x17: {  	s4 =	simm.s32 $0x1BF5;
	[smem:$0x3FBA] =	sst s0  }
0x18: {  	s0 =	sld [smem:$0x3F9D];
	_ =	swait.ge [sflag:s4], $0x0  }
0x19: {  	s7 =	sld [smem:$0x3F9E]  }
0x1a: {  	s8 =	sadd.s32 $0xFFFFE003, lr  }
0x1b: {  	s9 =	sadd.s32 $0xFFFFFEF7, lr;
	s5 =	simm.s32 $0xFFFFFFFF;
	p2 =	slt.u32 s8, $0xFFFFF086  }
0x1c: {  	p1 =	slt.u32 s9, $0xF7A;
	s5 =	simm.s32 @!p2 $0x0  }
0x1d: {  	s5 =	simm.s32 @p1 $0x1;
	p0 =	seq.s32 s7, s2  }
0x1e: {  	s7 =	smul.u32 @!p0 $0xF7A, s2;
	p2 =	seq.s32 @!p0 s5, $0x0  }
0x1f: {  	s9 =	smul.u32 $0xF7A, s1;
	s8 =	simm.s32 @!p0 $0x1BF5;
	p2 =	por !p2, p0  }
0x20: {  	[sflag:s8] =	ssyncset.s32 @!p0 $0xFFFFF086;
	s6 =	sadd.s32 @!p0 s3, s7;
	s7 =	simm.s32 @!p0 $0x108  }
0x21: {  	s3 =	sadd.s32 s3, s9;
	s6 =	sadd.s32 @!p0 $0x88, s6;
	s7 =	simm.s32 @p2 $0x1082  }
0x22: {  	[simem:s7], [sflag:s8] =	dma.local @!p0 [hbm:s6], $0xF7A  }
0x23: {  	s9 =	sor.u32 $0xD0000000, s2;
	s6 =	simm.s32 $0x108;
	_ =	swait.ge @!p0 [sflag:s8], $0x0  }
0x24: {  	s3 =	sadd.s32 $0x88, s3;
	s6 =	simm.s32 @!p1 $0x1082;
	[sflag:s4] =	ssyncset.s32 $0xFFFFF086  }
0x25: {  	[simem:s6], [sflag:s4] =	dma.local [hbm:s3], $0xF7A  }
0x26: {  	[smem:$0x3F9E] =	sst s1;
	(tag) =	ssettag s2;
	_ =	strace s9  }
0x27: {  	s1 =	sld [smem:$0x3FAE]  }
0x28: {  	s2 =	sld [smem:$0x3FAF]  }
0x29: {  	s4 =	sld [smem:$0x3FB1]  }
0x2a: {  	p0 =	seq.s32 s5, $0x0;
	s5 =	sld [smem:$0x3FB2]  }
0x2b: {  	s6 =	sld [smem:$0x3FB3]  }
0x2c: {  	s7 =	sld [smem:$0x3FB4]  }
0x2d: {  	s3 =	simm.s32 $0x108;
	s8 =	sld [smem:$0x3FB5]  }
0x2e: {  	s3 =	simm.s32 @!p0 $0x1082;
	s9 =	sld [smem:$0x3FB6]  }
0x2f: {  	lr =	sadd.s32 s0, s3;
	s0 =	sld [smem:$0x3FAD]  }
0x30: {  	s3 =	sld [smem:$0x3FB0]  }
0x31: {  	[smem:$0x3FB9] =	sst s10  }
0x32: {  	s10 =	sld [smem:$0x3FB7];
	_ =	sdelay $0x3  }
0x33: {  	p0 =	seq.s32 s10, $0x1;
	s10 =	sld [smem:$0x3FB9];
	_ =	sdelay $0x3  }
0x34: {  	[smem:$0x3FB9] =	sst s10  }
0x35: {  	s10 =	sld [smem:$0x3FB8];
	_ =	sdelay $0x3  }
0x36: {  	p1 =	seq.s32 s10, $0x1;
	s10 =	sld [smem:$0x3FB9];
	_ =	sdelay $0x3  }
0x37: {  	[smem:$0x3FB9] =	sst s10  }
0x38: {  	s10 =	sld [smem:$0x3FBA]  }
0x39: {  	_ = 	snop;
	(pc) =	sbr.ind lr, $3  }
0x3a: {  	_ = 	snop  }
0x3b: {  	_ = 	snop  }
0x3c: {  	p2 =	seq.s32 s10, $0x1;
	s10 =	sld [smem:$0x3FB9]  }
0x3d: {  	_ =	shalt  }
0x3e: {  	_ =	shalt  }
0x3f: {  	_ =	shalt  }
0x40: {  	_ =	shalt  }
0x41: {  	_ =	shalt  }
0x42: {  	_ =	shalt  }
0x43: {  	_ =	shalt  }
0x44: {  	_ =	shalt  }
0x45: {  	_ =	shalt  }
0x46: {  	_ =	shalt  }
0x47: {  	_ =	shalt  }
0x48: {  	_ =	shalt  }
0x49: {  	_ =	shalt  }
0x4a: {  	_ =	shalt  }
0x4b: {  	_ =	shalt  }
0x4c: {  	_ =	shalt  }
0x4d: {  	_ =	shalt  }
0x4e: {  	_ =	shalt  }
0x4f: {  	_ =	shalt  }
0x50: {  	_ =	shalt  }
0x51: {  	_ =	shalt  }
0x52: {  	_ =	shalt  }
0x53: {  	_ =	shalt  }
0x54: {  	_ =	shalt  }
0x55: {  	_ =	shalt  }
0x56: {  	_ =	shalt  }
0x57: {  	_ =	shalt  }
0x58: {  	_ =	shalt  }
0x59: {  	_ =	shalt  }
0x5a: {  	_ =	shalt  }
0x5b: {  	_ =	shalt  }
0x5c: {  	_ =	shalt  }
0x5d: {  	_ =	shalt  }
0x5e: {  	_ =	shalt  }
0x5f: {  	_ =	shalt  }
0x60: {  	_ =	shalt  }
0x61: {  	_ =	shalt  }
0x62: {  	_ =	shalt  }
0x63: {  	_ =	shalt  }
0x64: {  	_ =	shalt  }
0x65: {  	_ =	shalt  }
0x66: {  	_ =	shalt  }
0x67: {  	_ =	shalt  }
0x68: {  	_ =	shalt  }
0x69: {  	_ =	shalt  }
0x6a: {  	_ =	shalt  }
0x6b: {  	_ =	shalt  }
0x6c: {  	_ =	shalt  }
0x6d: {  	_ =	shalt  }
0x6e: {  	_ =	shalt  }
0x6f: {  	_ =	shalt  }
0x70: {  	_ =	shalt  }
0x71: {  	_ =	shalt  }
0x72: {  	_ =	shalt  }
0x73: {  	_ =	shalt  }
0x74: {  	_ =	shalt  }
0x75: {  	_ =	shalt  }
0x76: {  	_ =	shalt  }
0x77: {  	_ =	shalt  }
0x78: {  	_ =	shalt  }
0x79: {  	_ =	shalt  }
0x7a: {  	_ =	shalt  }
0x7b: {  	_ =	shalt  }
0x7c: {  	_ =	shalt  }
0x7d: {  	_ =	shalt  }
0x7e: {  	_ =	shalt  }
0x7f: {  	_ =	shalt  }
0x80: {  	_ =	shalt  }
0x81: {  	_ =	shalt  }
0x82: {  	_ =	shalt  }
0x83: {  	_ =	shalt  }
0x84: {  	_ =	shalt  }
0x85: {  	_ =	shalt  }
0x86: {  	_ =	shalt  }
0x87: {  	_ =	shalt  }
.Lfunc_end0:
.L_simem_size_0:
called_computation_lowered:
.L_overlay_start_0:
0x88: {  	s2 =	sld [smem:$0x3FD9]  }
0x89: {  	s3 =	sld [smem:$0x3FFE];
	_ =	sdelay $0x1  }
0x8a: {  	s1 =	srdreg.scid  }
0x8b: {  	s0 =	sand.u32 $0x1, s1  }
0x8c: {  	s17 =	sshll.u32 s0, $0xA;
	s2 =	sadd.s32 s3, s2  }
0x8d: {  	s2 =	sadd.s32 s2, s17  }
0x8e: {  	[smem:$0x3FC5] =	sst s2  }
0x8f: {  	_ = 	snop  }
0x90: {  	s2 =	sld [smem:$0x3FC9]  }
0x91: {  	s18 =	sld [smem:$0x3FC8]  }
0x92: {  	s4 =	sld [smem:$0x3FC7];
	(tm) =	ssettm $0x1  }
0x93: {  	s5 =	sld [smem:$0x3FFB];
	_ =	sdelay $0x3  }
0x94: {  	_ =	strace s5  }
0x95: {  	s5 =	sld [smem:$0x3FFC];
	_ =	sdelay $0x3  }
0x96: {  	_ =	strace s5  }
0x97: {  	s5 =	sld [smem:$0x3FFD];
	_ =	sdelay $0x3  }
0x98: {  	_ =	strace s5  }
0x99: {  	_ =	strace $0x8FFFFFFF  }
0x9a: {  	s19 =	sld [smem:$0x3FDB];
	_ =	sdelay $0x1  }
0x9b: {  	s6 =	simm.s32 $_scs_section_size  }
0x9c: {  	s7 =	simm.s32 $_size__tile_overlayer_lowered;
	s8 =	simm.s32 $_tile_overlayer_lowered  }
0x9d: {  	s22 =	simm.s32 $0x1BFF;
	s21 =	sshll.u32 s8, $0x1;
	s5 =	sadd.s32 s6, s19  }
0x9e: {  	s9 =	simm.s32 $0x0;
	s20 =	sshll.u32 s7, $0x1;
	s7 =	sadd.s32 s21, s5  }
0x9f: {  	[timem:s9], [sflag:s22] =	dma.local [hbm:s7], s20  }
0xa0: {  	_ =	swait.ge [sflag:s22], s20  }
0xa1: {  	s6 =	ssub.s32 $0x0, s20;
	[sflag:s22] =	ssyncset.done $0x0  }
0xa2: {  	[sflag:s22] =	ssyncadd.s32 s6;
	_ =	sdelay $0x1  }
0xa3: {  	s23 =	simm.s32 $0x1B8B  }
0xa4: {  	_ =	swait.ge [sflag:s23], $0x1  }
0xa5: {  	[sflag:s23] =	ssyncset.done $0x0  }
0xa6: {  	s25 =	simm.s32 $0x1B8E;
	s24 =	sld [smem:$0x3FFE];
	[sflag:s23] =	ssyncadd.s32 $0xFFFFFFFF  }
0xa7: {  	s26 =	simm.s32 $execute0_lowered;
	[smem:$0x3FD2] =	sst s25  }
0xa8: {  	s7 =	sshll.u32 s26, $0x1;
	_ =	strace $0x80000046;
	[dreg:$0x1] =	wrdreg $0xFFFFFFFF  }
0xa9: {  	s28 =	simm.s32 $_size_execute0_lowered;
	s5 =	sadd.s32 s5, s7;
	[dreg:$0x0] =	wrdreg $0x0  }
0xaa: {  	s7 =	sshll.u32 s28, $0x1;
	[dreg:$0x2] =	wrdreg s5  }
0xab: {  	[dreg:$0x3] =	wrdreg s7  }
0xac: {  	[dreg:$0x4] =	wrdreg $0xC0  }
0xad: {  	_ =	task [dreg:s9], $0x5FFFF  }
0xae: {  	[dreg:$0x1] =	wrdreg $0xFFFFFFFF  }
0xaf: {  	[dreg:$0x0] =	wrdreg $0x60  }
0xb0: {  	[dreg:$0x2] =	wrdreg s2  }
0xb1: {  	[dreg:$0x3] =	wrdreg s18  }
0xb2: {  	[dreg:$0x4] =	wrdreg s4  }
0xb3: {  	[dreg:$0x5] =	wrdreg s24  }
0xb4: {  	[dreg:$0x6] =	wrdreg $0x9  }
0xb5: {  	_ =	task.clear_ibuf [dreg:s9], $0x7FFFF;
	_ =	strace $0x90000046  }
0xb6: {  	s29 =	simm.s32 $0x9;
	_ =	strace $0x80000048  }
0xb7: {  	_ =	swait.ge [sflag:s29], $0x1  }
0xb8: {  	[sflag:s29] =	ssyncadd.s32 $0xFFFFFFFF  }
0xb9: {  	_ =	strace $0x90000048  }
0xba: {  	_ =	sfence  }
0xbb: {  	s30 =	sld [smem:$0x0];
	_ =	sdelay $0x2  }
0xbc: {  	s31 =	sshll.u32 s1, $0xD;
	s1 =	sshrl.u32 s1, $0x2  }
0xbd: {  	s3 =	sand.u32 $0x4000, s31;
	s1 =	sadd.s32 s1, s30  }
0xbe: {  	s0 =	sor.u32 s3, s0;
	s1 =	sshll.u32 s1, $0x11  }
0xbf: {  	s0 =	sor.u32 s1, s0  }
0xc0: {  	s0 =	sadd.s32 $0x8F2B, s0  }
0xc1: {  	[sflag:s0] =	ssyncadd.remote.s32 $0x1  }
0xc2: {  	_ =	sfence.sel $0xFFFF  }
0xc3: {  	[dreg:$0x0] =	wrdreg $0xFFFFFFFF;
	(pc) =	sbr.abs _section_cstart, $3  }
0xc4: {  	[dreg:$0x1] =	wrdreg $0xFFFFFFFF  }
0xc5: {  	_ =	task.clear_ibuf [dreg:s9], $0x2FFFF;
	_ =	strace $0x9FFFFFFF  }
0xc6: {  	(tm) =	ssettm $0x7FFFFFFF  }
0xc7: {  	_ =	shalt  }
tec
execute0_lowered:
.L_overlay_start_1:
0x0: {  	(tag) =	ssettag $0x1  }
0x1: {  	s1 =	rddreg [dreg:$0x0]  }
0x2: {  	s2 =	rddreg [dreg:$0x1]  }
0x3: {  	s4 =	rddreg [dreg:$0x2]  }
0x4: {  	s6 =	rddreg [dreg:$0x3]  }
0x5: {  	s0 =	rddreg [dreg:$0x4];
	s7 =	srdreg.scid  }
0x6: {  	s3 =	stileid.u32;
	s5 =	simm.s32 $0x0;
	s13 =	simm.s32 $0x80  }
0x7: {  	s14 =	simm.s32 $0x400;
	s15 =	simm.s32 $0x8800;
	s16 =	simm.s32 $0x8880  }
0x8: {  	s17 =	simm.s32 $0x0;
	s7 =	sand.u32 $0x1, s7;
	s8 =	sshll.u32 s3, $0x1  }
0x9: {  	[smem:$0x7FF] =	sst s5;
	s11 =	sshll.u32 s3, $0x11;
	s8 =	sor.u32 s7, s8  }
0xa: {  	_ =	strace $0x80000047;
	s7 =	ssub.s32 $0x2, s7;
	s9 =	sshll.u32 s8, $0x1  }
0xb: {  	s10 =	sshrl.u32 s7, $0x1;
	s12 =	sshll.u32 s8, $0x7;
	s9 =	sadd.s32 s9, s6  }
0xc: {  	s10 =	ssub.s32 s7, s10;
	s31 =	sor.u32 s12, s11;
	s6 =	sshll.u32 s8, $0x13  }
0xd: {  	s11 =	simm.s32 $0x1;
	s12 =	simm.s32 $0x4000;
	s7 =	sand.u32 $0x180380, s31  }
0xe: {  	v0 =	vimm.f32 $0.0e+00;
	s8 =	sadd.s32 $0x200, s9;
	s9 =	sadd.s32 $0x400, s9;
	s10 =	smax.u32 s10, $0x1  }
.LBB2_1:
0xf: {  	v1 =	vimm.f32 $0.0e+00;
	v6 =	vimm.f32 $0.0e+00;
	s18 =	simm.s32 $0x0  }
.LBB2_2:
0x10: {  	s19 =	sshll.u32 s18, $0xE  }
0x11: {  	s19 =	sadd.s32 $0x68000, s19  }
0x12: {  	s20 =	sadd.s32 s6, s19  }
0x13: {  	s20 =	sshrl.u32 s20, $0x3  }
0x14: {  	s22 =	simm.s32 $0x0;
	s21 =	sadd.s32 s1, s20  }
0x15: {  	[tilespmem:s22], [sflag:$0x1] =	stream.linear.gather [hbm4b:s21+s22], $0x4000, $0x38;
	[tilespmem:$0x8900] =	vst v63  }
0x16: {  	_ =	swait.ge [sflag:s11], $0x4000  }
0x17: {  	[sflag:s11] =	ssyncset.done $0x0  }
0x18: {  	s20 =	sadd.s32 s2, s20;
	[sflag:s11] =	ssyncadd.s32 $0xFFFFC000  }
0x19: {  	[tilespmem:s12], [sflag:$0x1] =	stream.linear.gather [hbm4b:s20+s22], $0x4000, $0x38;
	[tilespmem:$0x8900] =	vst v63  }
0x1a: {  	s19 =	sadd.s32 s7, s19;
	_ =	swait.ge [sflag:s11], $0x4000  }
0x1b: {  	s19 =	sshrl.u32 s19, $0x3;
	[sflag:s11] =	ssyncset.done $0x0  }
0x1c: {  	s23 =	simm.s32 $0x8000;
	s19 =	sadd.s32 s4, s19;
	[sflag:s11] =	ssyncadd.s32 $0xFFFFC000  }
0x1d: {  	[tilespmem:s23], [sflag:$0x1] =	stream.strided.gather [hbm4b:s19+s13], $0x800, s14, s13, $0x38;
	[tilespmem:$0x8900] =	vst v63  }
0x1e: {  	_ =	swait.ge [sflag:s11], $0x800  }
0x1f: {  	[sflag:s11] =	ssyncset.done $0x0  }
0x20: {  	s24 =	sand.u32 $0x70, s22;
	s25 =	sand.u32 $0x3C00, s22;
	[sflag:s11] =	ssyncadd.s32 $0xFFFFF800  }
0x21: {  	s19 =	sor.u32 s24, s25;
	v2 =	vld [tilespmem:s23+$0x0]  }
0x22: {  	v3 =	vld [tilespmem:s19+$0x4300]  }
0x23: {  	v4 =	vld [tilespmem:s19+$0x4280]  }
0x24: {  	v5 =	vld [tilespmem:s19+$0x4200]  }
0x25: {  	v7 =	vld [tilespmem:s19+$0x300]  }
0x26: {  	v8 =	vld [tilespmem:s19+$0x180]  }
0x27: {  	v9 =	vld [tilespmem:s19+$0x200]  }
0x28: {  	v10 =	vld [tilespmem:s19+$0x280]  }
0x29: {  	v11 =	vld [tilespmem:s19+$0x4100]  }
0x2a: {  	v12 =	vld [tilespmem:s19+$0x4180]  }
0x2b: {  	v14 =	vld [tilespmem:s19+$0x100];
	_ =	sdelay $0x2  }
0x2c: {  	v13 =	vld [tilespmem:s19+$0x4080];
	v3 =	vsub.f32 v7, v3;
	v5 =	vsub.f32 v9, v5  }
0x2d: {  	v16 =	vld [tilespmem:s19+$0x0];
	vm0 =	vgt.s32 v2, $0x0;
	v4 =	vsub.f32 v10, v4;
	v8 =	vsub.f32 v8, v12  }
0x2e: {  	v7 =	vld [tilespmem:s19+$0x80];
	v11 =	vsub.f32 v14, v11;
	v2 =	vand.u32 $0x7FFFFFFF, v3;
	v15 =	vmul.f32 $5.000000000e-01, v5  }
0x2f: {  	v9 =	vld [tilespmem:s19+$0x4000];
	v10 =	vmul.f32 $5.000000000e-01, v3;
	v12 =	vand.u32 $0x7FFFFFFF, v5;
	v17 =	vmul.f32 $5.000000000e-01, v8  }
0x30: {  	s26 =	sand.u32 $0x7, s22;
	v18 =	vmul.f32 $5.000000000e-01, v11;
	v14 =	vadd.f32 $-5.000000000e-01, v12;
	vm3 =	vlt.f32 v2, $1.000000000e+00  }
0x31: {  	s19 =	sshll.u32 s26, $0x4;
	v21 =	vadd.f32 $-5.000000000e-01, v2;
	v2 =	vand.u32 $0x7FFFFFFF, v11;
	v5 =	vmul.f32 v15, v5  }
0x32: {  	s19 =	sadd.s32 $0x0, s19;
	vm2 =	vlt.f32 v12, $1.000000000e+00;
	v15 =	vmul.f32 $5.000000000e-01, v4;
	v18 =	vmul.f32 v18, v11  }
0x33: {  	s19 =	sor.u32 $0x380, s19;
	vm1 =	vlt.f32 v2, $1.000000000e+00;
	v3 =	vmul.f32 v10, v3;
	v7 =	vsub.f32 v7, v13  }
0x34: {  	v20 =	vld [tilespmem:s19+$0x0];
	v13 =	vand.u32 $0x7FFFFFFF, v8;
	v8 =	vmul.f32 v17, v8;
	v9 =	vsub.f32 v16, v9  }
0x35: {  	v16 =	vld [tilespmem:s19+$0x4000];
	v5 =	vsel vm2, v5, v14;
	vm2 =	vmmov vm0;
	v3 =	vsel vm3, v3, v21  }
0x36: {  	s28 =	simm.s32 $0x10;
	s29 =	simm.s32 $0x80;
	v26 =	vadd.f32 $-5.000000000e-01, v13;
	vm3 =	vlt.f32 v13, $1.000000000e+00;
	v17 =	vmul.f32 $5.000000000e-01, v7  }
0x37: {  	s30 =	simm.s32 $0x8010;
	s20 =	sand.u32 $0x3C00, s29;
	s19 =	sand.u32 $0x70, s28;
	v19 =	vand.u32 $0x7FFFFFFF, v7;
	v22 =	vand.u32 $0x7FFFFFFF, v9;
	v23 =	vnsel vm2, $0x0, v5  }
0x38: {  	v12 =	vld [tilespmem:s30+$0x0];
	s19 =	sor.u32 s19, s20;
	v3 =	vnsel vm2, $0x0, v3;
	v8 =	vsel vm3, v8, v26;
	vm3 =	vlt.f32 v19, $1.000000000e+00  }
0x39: {  	v10 =	vld [tilespmem:s19+$0x4280];
	v11 =	vmul.f32 v17, v7;
	v17 =	vadd.f32 $-5.000000000e-01, v2;
	v2 =	vand.u32 $0x7FFFFFFF, v4  }
0x3a: {  	v24 =	vld [tilespmem:s19+$0x300];
	v4 =	vmul.f32 v15, v4;
	v14 =	vadd.f32 $-5.000000000e-01, v2;
	v16 =	vsub.f32 v20, v16  }
0x3b: {  	v21 =	vld [tilespmem:s19+$0x180];
	v7 =	vadd.f32 $-5.000000000e-01, v22;
	v62 =	vnsel vm2, $0x0, v8;
	vm0 =	vlt.f32 v2, $1.000000000e+00  }
0x3c: {  	v15 =	vld [tilespmem:s19+$0x4300];
	v2 =	vsel vm0, v4, v14;
	v4 =	vsel vm2, $0x3F800000, v0;
	v5 =	vmul.f32 $5.000000000e-01, v16  }
0x3d: {  	v25 =	vld [tilespmem:s19+$0x200];
	v20 =	vand.u32 $0x7FFFFFFF, v16;
	v1 =	vadd.f32 v4, v1;
	v4 =	vmul.f32 $5.000000000e-01, v9  }
0x3e: {  	v17 =	vsel vm1, v18, v17;
	v14 =	vld [tilespmem:s19+$0x4200];
	v5 =	vmul.f32 v5, v16;
	v16 =	vadd.f32 $-5.000000000e-01, v20  }
0x3f: {  	v17 =	vnsel vm2, $0x0, v17;
	vm0 =	vlt.f32 v20, $1.000000000e+00;
	v20 =	vld [tilespmem:s19+$0x280];
	v9 =	vmul.f32 v4, v9  }
0x40: {  	v13 =	vld [tilespmem:s19+$0x4180];
	v2 =	vnsel vm2, $0x0, v2;
	v4 =	vsel vm0, v5, v16;
	vm0 =	vlt.f32 v22, $1.000000000e+00  }
0x41: {  	v27 =	vld [tilespmem:s19+$0x4100];
	v5 =	vnsel vm2, $0x0, v4;
	v4 =	vsub.f32 v24, v15;
	v7 =	vsel vm0, v9, v7  }
0x42: {  	v61 =	vld [tilespmem:s19+$0x80];
	v9 =	vadd.f32 $-5.000000000e-01, v19;
	vm0 =	vgt.s32 v12, $0x0;
	v7 =	vnsel vm2, $0x0, v7  }
0x43: {  	v19 =	vld [tilespmem:s19+$0x100];
	v14 =	vsub.f32 v25, v14;
	v22 =	vand.u32 $0x7FFFFFFF, v4;
	v15 =	vadd.f32 v7, v6  }
0x44: {  	v12 =	vld [tilespmem:s19+$0x4080];
	v7 =	vsub.f32 v20, v10;
	v6 =	vmul.f32 $5.000000000e-01, v4;
	v9 =	vsel vm3, v11, v9  }
0x45: {  	v18 =	vld [tilespmem:s19+$0x0];
	v10 =	vmul.f32 $5.000000000e-01, v14;
	v20 =	vsub.f32 v21, v13;
	v25 =	vand.u32 $0x7FFFFFFF, v14  }
0x46: {  	v11 =	vld [tilespmem:s19+$0x4000];
	v9 =	vnsel vm2, $0x0, v9;
	v16 =	vadd.f32 $-5.000000000e-01, v25;
	vm1 =	vlt.f32 v22, $1.000000000e+00  }
0x47: {  	s19 =	simm.s32 $0x1;
	v21 =	vadd.f32 v9, v15;
	v15 =	vmul.f32 v10, v14;
	v10 =	vmul.f32 $5.000000000e-01, v20  }
0x48: {  	s31 =	sand.u32 $0x7, s19;
	vm3 =	vlt.f32 v25, $1.000000000e+00;
	v13 =	vmul.f32 $5.000000000e-01, v7;
	v14 =	vsub.f32 v19, v27  }
0x49: {  	v9 =	vand.u32 $0x7FFFFFFF, v20;
	s20 =	sshll.u32 s31, $0x4;
	v12 =	vsub.f32 v61, v12;
	v10 =	vmul.f32 v10, v20  }
0x4a: {  	s20 =	sadd.s32 $0x80, s20;
	v20 =	vadd.f32 v17, v21;
	v17 =	vadd.f32 $-5.000000000e-01, v22;
	v8 =	vmul.f32 $5.000000000e-01, v14  }
0x4b: {  	s20 =	sor.u32 $0x380, s20;
	v18 =	vsub.f32 v18, v11;
	v63 =	vmul.f32 $5.000000000e-01, v12;
	v11 =	vand.u32 $0x7FFFFFFF, v12  }
0x4c: {  	v21 =	vand.u32 $0x7FFFFFFF, v14;
	v22 =	vld [tilespmem:s20+$0x0];
	v24 =	vadd.f32 v62, v20;
	v8 =	vmul.f32 v8, v14  }
0x4d: {  	v20 =	vld [tilespmem:s20+$0x4000];
	v19 =	vand.u32 $0x7FFFFFFF, v18;
	v14 =	vmul.f32 v63, v12;
	v12 =	vadd.f32 $-5.000000000e-01, v21  }
0x4e: {  	s21 =	simm.s32 $0x8020;
	s24 =	simm.s32 $0x20;
	vm2 =	vlt.f32 v21, $1.000000000e+00;
	s20 =	simm.s32 $0x100;
	v21 =	vadd.f32 $-5.000000000e-01, v19;
	v23 =	vadd.f32 v23, v24  }
.LBB2_3:
0x4f: {  	v15 =	vsel vm3, v15, v16;
	s22 =	smov.u32 s24  }
0x50: {  	s23 =	sand.u32 $0x70, s24;
	s25 =	sand.u32 $0x3C00, s20;
	v16 =	vand.u32 $0x7FFFFFFF, v7;
	v7 =	vmul.f32 v13, v7;
	vm3 =	vmmov vm0;
	s22 =	sadd.s32 $0x10, s24  }
0x51: {  	p0 =	sne.s32 s24, $0x7F0;
	s23 =	sor.u32 s23, s25;
	v24 =	vnsel vm3, $0x0, v15;
	v15 =	vadd.f32 $-5.000000000e-01, v16;
	v2 =	vadd.f32 v2, v23;
	v13 =	vld [tilespmem:s21+$0x0]  }
0x52: {  	v4 =	vmul.f32 v6, v4;
	vm0 =	vlt.f32 v16, $1.000000000e+00;
	v6 =	vsub.f32 v22, v20;
	v23 =	vld [tilespmem:s23+$0x4300]  }
0x53: {  	v20 =	vsel vm3, $0x3F800000, v0;
	v7 =	vsel vm0, v7, v15;
	v3 =	vadd.f32 v3, v2;
	v16 =	vld [tilespmem:s23+$0x4280]  }
0x54: {  	v22 =	vmul.f32 $5.000000000e-01, v6;
	v2 =	vnsel vm3, $0x0, v7;
	v7 =	vand.u32 $0x7FFFFFFF, v6;
	v15 =	vld [tilespmem:s23+$0x4200]  }
0x55: {  	v1 =	vadd.f32 v20, v1;
	v4 =	vsel vm1, v4, v17;
	v17 =	vadd.f32 v5, v3;
	v25 =	vld [tilespmem:s23+$0x300]  }
0x56: {  	v5 =	vmul.f32 $5.000000000e-01, v18;
	v6 =	vmul.f32 v22, v6;
	v22 =	vadd.f32 $-5.000000000e-01, v7;
	v20 =	vld [tilespmem:s23+$0x180]  }
0x57: {  	v27 =	vadd.f32 $-5.000000000e-01, v9;
	v3 =	vnsel vm3, $0x0, v4;
	vm0 =	vlt.f32 v7, $1.000000000e+00;
	v26 =	vld [tilespmem:s23+$0x200]  }
0x58: {  	vm1 =	vlt.f32 v9, $1.000000000e+00;
	v18 =	vmul.f32 v5, v18;
	v4 =	vsel vm0, v6, v22;
	v7 =	vld [tilespmem:s23+$0x280]  }
0x59: {  	v10 =	vsel vm1, v10, v27;
	vm0 =	vlt.f32 v19, $1.000000000e+00;
	v5 =	vnsel vm3, $0x0, v4;
	v9 =	vld [tilespmem:s23+$0x4100]  }
0x5a: {  	v6 =	vsel vm0, v18, v21;
	v18 =	vadd.f32 $-5.000000000e-01, v11;
	v19 =	vld [tilespmem:s23+$0x4180];
	v4 =	vsub.f32 v25, v23  }
0x5b: {  	vm1 =	vlt.f32 v11, $1.000000000e+00;
	vm0 =	vgt.s32 v13, $0x0;
	v6 =	vnsel vm3, $0x0, v6;
	v21 =	vld [tilespmem:s23+$0x4080]  }
0x5c: {  	v11 =	vld [tilespmem:s23+$0x100];
	v13 =	vsub.f32 v26, v15;
	v22 =	vand.u32 $0x7FFFFFFF, v4;
	v15 =	vadd.f32 v6, v17  }
0x5d: {  	s19 =	sadd.s32 $0x1, s19;
	v14 =	vsel vm1, v14, v18;
	v6 =	vmul.f32 $5.000000000e-01, v4;
	v17 =	vld [tilespmem:s23+$0x80];
	v7 =	vsub.f32 v7, v16  }
0x5e: {  	v8 =	vsel vm2, v8, v12;
	v14 =	vnsel vm3, $0x0, v14;
	v18 =	vld [tilespmem:s23+$0x4000];
	v16 =	vmul.f32 $5.000000000e-01, v13  }
0x5f: {  	v23 =	vand.u32 $0x7FFFFFFF, v13;
	v14 =	vadd.f32 v14, v15;
	v12 =	vld [tilespmem:s23+$0x0];
	v19 =	vsub.f32 v20, v19  }
0x60: {  	s23 =	sand.u32 $0x7, s19;
	v15 =	vmul.f32 v16, v13;
	v16 =	vadd.f32 $-5.000000000e-01, v23;
	v13 =	vmul.f32 $5.000000000e-01, v7  }
0x61: {  	v8 =	vnsel vm3, $0x0, v8;
	s23 =	sshll.u32 s23, $0x4;
	v25 =	vsub.f32 v11, v9;
	v11 =	vmul.f32 $5.000000000e-01, v19  }
0x62: {  	v26 =	vnsel vm3, $0x0, v10;
	s23 =	sadd.s32 s23, s20;
	v9 =	vand.u32 $0x7FFFFFFF, v19;
	v21 =	vsub.f32 v17, v21  }
0x63: {  	vm1 =	vlt.f32 v22, $1.000000000e+00;
	s23 =	sor.u32 $0x380, s23;
	v17 =	vmul.f32 $5.000000000e-01, v25;
	v10 =	vmul.f32 v11, v19  }
.Ltmp0:
0x64: {  	v14 =	vadd.f32 v8, v14;
	v18 =	vsub.f32 v12, v18;
	v12 =	vmul.f32 $5.000000000e-01, v21;
	v20 =	vld [tilespmem:s23+$0x4000];
	(pc) =	sbr.rel @p0 .LBB2_3-.Ltmp0, $4  }
0x65: {  	v11 =	vand.u32 $0x7FFFFFFF, v21;
	v8 =	vmul.f32 v17, v25;
	v17 =	vadd.f32 $-5.000000000e-01, v22;
	v22 =	vld [tilespmem:s23+$0x0]  }
0x66: {  	v26 =	vadd.f32 v26, v14;
	v25 =	vand.u32 $0x7FFFFFFF, v25;
	v19 =	vand.u32 $0x7FFFFFFF, v18  }
0x67: {  	v14 =	vmul.f32 v12, v21;
	vm2 =	vlt.f32 v25, $1.000000000e+00;
	v12 =	vadd.f32 $-5.000000000e-01, v25  }
0x68: {  	s21 =	sadd.s32 $0x10, s21;
	s24 =	smov.u32 s22;
	vm3 =	vlt.f32 v23, $1.000000000e+00;
	s20 =	sadd.s32 $0x80, s20;
	v23 =	vadd.f32 v24, v26;
	v21 =	vadd.f32 $-5.000000000e-01, v19  }
0x69: {  	_ = 	snop  }
0x6a: {  	v61 =	vmul.f32 $5.000000000e-01, v18;
	v2 =	vadd.f32 v2, v23;
	_ =	sdelay $0x1  }
0x6b: {  	v2 =	vadd.f32 v3, v2;
	v3 =	vmul.f32 v61, v18  }
0x6c: {  	vm0 =	vmmov vm0;
	vm4 =	vlt.f32 v19, $1.000000000e+00  }
0x6d: {  	v2 =	vadd.f32 v5, v2;
	v3 =	vsel vm4, v3, v21;
	v5 =	vadd.f32 $-5.000000000e-01, v11  }
0x6e: {  	vm12 =	vlt.f32 v11, $1.000000000e+00;
	v3 =	vnsel vm0, $0x0, v3  }
0x6f: {  	v5 =	vsel vm12, v14, v5;
	v2 =	vadd.f32 v3, v2  }
0x70: {  	v3 =	vnsel vm0, $0x0, v5  }
0x71: {  	v8 =	vsel vm2, v8, v12;
	v5 =	vadd.f32 $-5.000000000e-01, v9;
	v2 =	vadd.f32 v3, v2  }
0x72: {  	vm13 =	vlt.f32 v9, $1.000000000e+00;
	v3 =	vnsel vm0, $0x0, v8  }
0x73: {  	v63 =	vsub.f32 v22, v20;
	v5 =	vsel vm13, v10, v5;
	v2 =	vadd.f32 v3, v2  }
0x74: {  	v8 =	vand.u32 $0x7FFFFFFF, v7;
	v7 =	vmul.f32 v13, v7;
	v5 =	vnsel vm0, $0x0, v5  }
0x75: {  	v62 =	vadd.f32 $-5.000000000e-01, v8;
	v3 =	vsel vm3, v15, v16;
	v2 =	vadd.f32 v5, v2  }
0x76: {  	v4 =	vmul.f32 v6, v4;
	vm14 =	vlt.f32 v8, $1.000000000e+00;
	v3 =	vnsel vm0, $0x0, v3  }
0x77: {  	s18 =	sadd.s32 $0x1, s18;
	v6 =	vmul.f32 $5.000000000e-01, v63;
	v5 =	vsel vm14, v7, v62;
	v2 =	vadd.f32 v3, v2  }
0x78: {  	p0 =	sne.s32 s18, $0x6;
	v4 =	vsel vm1, v4, v17;
	v3 =	vnsel vm0, $0x0, v5;
	v5 =	vand.u32 $0x7FFFFFFF, v63  }
.Ltmp1:
0x79: {  	v6 =	vmul.f32 v6, v63;
	v7 =	vadd.f32 $-5.000000000e-01, v5;
	v2 =	vadd.f32 v3, v2;
	(pc) =	sbr.rel @p0 .LBB2_2-.Ltmp1, $4  }
0x7a: {  	vm15 =	vlt.f32 v5, $1.000000000e+00;
	v3 =	vnsel vm0, $0x0, v4  }
0x7b: {  	v4 =	vsel vm15, v6, v7;
	v2 =	vadd.f32 v3, v2  }
0x7c: {  	v3 =	vsel vm0, $0x3F800000, v0;
	v4 =	vnsel vm0, $0x0, v4  }
0x7d: {  	v1 =	vadd.f32 v3, v1;
	v6 =	vadd.f32 v4, v2  }
0x7e: {  	_ = 	snop  }
0x7f: {  	[tilespmem:$0x8800] =	vst v6  }
0x80: {  	[tilespmem:$0x8880] =	vst v1  }
0x81: {  	[hbm4b:s8+s5] =	stream.linear.scatter [tilespmem:s15], [sflag:$0x1], $0x10, $0x38;
	[tilespmem:$0x8900] =	vst v63  }
0x82: {  	s17 =	sadd.s32 $0x1, s17;
	_ =	swait.ge [sflag:s11], $0x10  }
0x83: {  	p0 =	sne.s32 s17, s10;
	[sflag:s11] =	ssyncset.done $0x0  }
.Ltmp2:
0x84: {  	[sflag:s11] =	ssyncadd.s32 $0xFFFFFFF0;
	(pc) =	sbr.rel @p0 .LBB2_1-.Ltmp2, $4  }
0x85: {  	[hbm4b:s9+s5] =	stream.linear.scatter [tilespmem:s16], [sflag:$0x1], $0x10, $0x38;
	[tilespmem:$0x8900] =	vst v63  }
0x86: {  	_ =	swait.ge [sflag:s11], $0x10  }
0x87: {  	[sflag:s11] =	ssyncset.done $0x0  }
0x88: {  	[sflag:s11] =	ssyncadd.s32 $0xFFFFFFF0  }
0x89: {  	_ =	sfence.sel $0x180000  }
0x8a: {  	[bflag:$0x0] =	sbarrier.arrive $0xFFFF  }
0x8b: {  	p0 =	sne.s32 s3, $0x0;
	_ =	strace $0x90000047  }
0x8c: {  	s0 =	sadd.s32 @!p0 $0x100000, s0;
	[bflag:$0x2] =	sbarrier.arrive $0xFFFF  }
0x8d: {  	[sflag:s0] =	ssyncadd.tile.s32 @!p0 $0x1;
	_ =	shalt  }
.Lfunc_end2:
_tile_overlayer_lowered:
.L_overlay_start_2:
0x8e: {  	(tag) =	ssettag $0x2  }
0x8f: {  	s0 =	rddreg [dreg:$0x0];
	s2 =	stileid.u32  }
0x90: {  	s1 =	rddreg [dreg:$0x1];
	p0 =	sne.s32 s2, $0x0  }
0x91: {  	s3 =	rddreg [dreg:$0x2];
	[bflag:$0x3] =	sbarrier.arrive $0xFFFF;
	s2 =	simm.s32 @!p0 $0x1C01  }
0x92: {  	[timem:s3], [sflag:s2] =	dma.local @!p0 [hbm:s0], s1  }
0x93: {  	s0 =	simm.s32 @!p0 $0x1  }
0x94: {  	_ =	swait.ge @!p0 [sflag:s0], s1  }
0x95: {  	s1 =	ssub.s32 @!p0 $0x0, s1;
	[sflag:s0] =	ssyncset.done @!p0 $0x0  }
0x96: {  	[sflag:s0] =	ssyncadd.s32 @!p0 s1  }
0x97: {  	[bflag:$0x3] =	sbarrier.arrive $0xFFFF  }
0x98: {  	_ =	shalt  }

</sc_bundles>
